<compile_context>
chip_gen: v7x
topology: tpu7x:2x2x1
jax: 0.10.2.dev20260603
libtpu: 0.0.44.dev20260713+nightly
codegen_flags: <defaults>
</compile_context>

<pallas_src>
import functools

import jax
import jax.numpy as jnp
from jax import lax
from jax.experimental import pallas as pl
from jax.experimental.pallas import tpu as pltpu
from jax.experimental.pallas import tpu_sc as plsc

BATCH = 4096
HIST_LEN = 200
HIDDEN = 128
CHUNK = 128

_NC = 2
_NS = 16
_NW = _NC * _NS

_N_ROWS = BATCH * HIST_LEN
_ROWS_PER_W = _N_ROWS // _NW
_CHUNKS_PER_W = _ROWS_PER_W // CHUNK
_NBUF = 6
_DEPTH = 4
_GROUPS = _CHUNKS_PER_W // _NBUF


def _make_gather():
    mesh = plsc.VectorSubcoreMesh(core_axis_name="c", subcore_axis_name="s")

    @functools.partial(
        pl.kernel,
        mesh=mesh,
        out_type=jax.ShapeDtypeStruct((_N_ROWS, HIDDEN), jnp.float32),
        scratch_types=[
            pltpu.VMEM((_CHUNKS_PER_W, CHUNK), jnp.int32),
            pltpu.VMEM((_NBUF, CHUNK, HIDDEN), jnp.float32),
        ]
        + [pltpu.SemaphoreType.DMA] * (2 * _NBUF),
    )
    def grab(idx_hbm, table_hbm, out_hbm, idx_v, bufs, *sems):
        sg, sw = sems[:_NBUF], sems[_NBUF:]
        wid = lax.axis_index("s") * _NC + lax.axis_index("c")
        base_chunk = wid * _CHUNKS_PER_W
        pltpu.sync_copy(idx_hbm.at[pl.ds(base_chunk, _CHUNKS_PER_W)], idx_v)

        def fire_gather(j, b):
            pltpu.async_copy(table_hbm.at[idx_v.at[j]], bufs.at[b], sg[b])

        def wait_gather(b):
            pltpu.make_async_copy(
                table_hbm.at[idx_v.at[0]], bufs.at[b], sg[b]
            ).wait()

        def fire_write(j, b):
            pltpu.async_copy(
                bufs.at[b], out_hbm.at[pl.ds((base_chunk + j) * CHUNK, CHUNK)], sw[b]
            )

        def wait_write(b):
            pltpu.make_async_copy(
                bufs.at[b], out_hbm.at[pl.ds(0, CHUNK)], sw[b]
            ).wait()

        for b in range(_DEPTH):
            fire_gather(b, b)

        def body(it, carry):
            ja = it * _NBUF
            for s in range(_NBUF):
                j = ja + s
                jf = j + _DEPTH
                bf = (s + _DEPTH) % _NBUF

                @pl.when(jf < _CHUNKS_PER_W)
                def _(jf=jf, bf=bf):
                    @pl.when(jf >= _NBUF)
                    def _():
                        wait_write(bf)

                    fire_gather(jf, bf)

                wait_gather(s)
                fire_write(j, s)
            return carry

        lax.fori_loop(0, _GROUPS, body, 0)

        for j in range(_GROUPS * _NBUF, _CHUNKS_PER_W):
            wait_gather(j % _NBUF)
            fire_write(j, j % _NBUF)
        for b in range(_NBUF):
            wait_write(b)

    return grab


_gather = _make_gather()


def kernel(input, weight):
    idx = input.reshape(_N_ROWS // CHUNK, CHUNK).astype(jnp.int32)
    out = _gather(idx, weight)
    return out.reshape(BATCH, HIST_LEN, HIDDEN)

# --- scband reference (transcript-rebuilt; emitter-appended) ---
"""Pipeline reference for scband-bert-embedding-82824149336314 (READ-ONLY COPY).

The authoritative reference and input builder live on the scoring server;
editing this copy changes nothing except your own understanding.
"""

import jax, jax.numpy as jnp
import numpy as np

VOCAB_SIZE = 100000
HIDDEN_SIZE = 128
BATCH = 4096
HIST_LEN = 200


def setup_inputs(seed: int = 0) -> dict:
    key = jax.random.key(seed)
    k_idx, k_w = jax.random.split(key)
    input_ids = jax.random.randint(k_idx, (BATCH, HIST_LEN), 0, VOCAB_SIZE, dtype=jnp.int64 if jax.config.jax_enable_x64 else jnp.int32)
    weight = jax.random.normal(k_w, (VOCAB_SIZE, HIDDEN_SIZE), dtype=jnp.float32) * 0.1
    return {"input": input_ids, "weight": weight}


def reference(input, weight):
    # Faithful translation of BertEmbedding.apply: gather rows of the
    # embedding table along axis 0.
    return jnp.take(weight, input, axis=0)

if __name__ == "__main__":
    import jax
    _d = setup_inputs()
    print(jax.jit(kernel)(*tuple(_d.values())))

</pallas_src>

<mosaic_0001>
#map = affine_map<(d0, d1) -> (0, 0)>
module attributes {stable_mosaic.version = 14 : i64} {
  func.func @grab(%arg0: i32, %arg1: i32, %arg2: memref<6400x128xi32, #tpu.memory_space<hbm>>, %arg3: memref<100000x128xf32, #tpu.memory_space<hbm>>, %arg4: memref<819200x128xf32, #tpu.memory_space<hbm>>, %arg5: memref<200x128xi32, #tpu.memory_space<vmem>>, %arg6: memref<6x128x128xf32, #tpu.memory_space<vmem>>, %arg7: memref<!tpu.dma_semaphore, #tpu.memory_space<semaphore_mem>>, %arg8: memref<!tpu.dma_semaphore, #tpu.memory_space<semaphore_mem>>, %arg9: memref<!tpu.dma_semaphore, #tpu.memory_space<semaphore_mem>>, %arg10: memref<!tpu.dma_semaphore, #tpu.memory_space<semaphore_mem>>, %arg11: memref<!tpu.dma_semaphore, #tpu.memory_space<semaphore_mem>>, %arg12: memref<!tpu.dma_semaphore, #tpu.memory_space<semaphore_mem>>, %arg13: memref<!tpu.dma_semaphore, #tpu.memory_space<semaphore_mem>>, %arg14: memref<!tpu.dma_semaphore, #tpu.memory_space<semaphore_mem>>, %arg15: memref<!tpu.dma_semaphore, #tpu.memory_space<semaphore_mem>>, %arg16: memref<!tpu.dma_semaphore, #tpu.memory_space<semaphore_mem>>, %arg17: memref<!tpu.dma_semaphore, #tpu.memory_space<semaphore_mem>>, %arg18: memref<!tpu.dma_semaphore, #tpu.memory_space<semaphore_mem>>) attributes {dimension_semantics = [#tpu.dimension_semantics<core_parallel>, #tpu.dimension_semantics<subcore_parallel>], iteration_bounds = array<i64: 2, 16>, scalar_prefetch = 0 : i64, scratch_operands = 14 : i64, tpu.core_type = #tpu.core_type<sc_vector_subcore>, window_params = [{transform_indices = #map}, {transform_indices = #map}, {transform_indices = #map}]} {
    %mul3A = arith.constant 2 : i32
    %mul3A_0 = arith.muli %arg1, %mul3A : i32
    %add3A = arith.addi %mul3A_0, %arg0 : i32
    %mul3A_1 = arith.constant 200 : i32
    %mul3A_2 = arith.muli %add3A, %mul3A_1 : i32
    "tpu.region"() ({
      %run_scoped3A = tpu.sem_alloc : memref<!tpu.dma_semaphore, #tpu.memory_space<semaphore_mem>>
      %dma_start3A_202 = arith.constant 0 : i32
      %dma_start3A_203 = tpu.memref_slice %arg2[%mul3A_2, %dma_start3A_202] : memref<6400x128xi32, #tpu.memory_space<hbm>> -> memref<200x128xi32, #tpu.memory_space<hbm>>
      %dma_start3A_204 = arith.constant 0 : i32
      %dma_start3A_205 = tpu.memref_slice %arg2[%mul3A_2, %dma_start3A_204] : memref<6400x128xi32, #tpu.memory_space<hbm>> -> memref<200x128xi32, #tpu.memory_space<hbm>>
      tpu.enqueue_dma source(%dma_start3A_205 : memref<200x128xi32, #tpu.memory_space<hbm>>) target(%arg5 : memref<200x128xi32, #tpu.memory_space<vmem>>) target_semaphore(%run_scoped3A : memref<!tpu.dma_semaphore, #tpu.memory_space<semaphore_mem>>)
      %dma_wait3A_206 = arith.constant 0 : i32
      %dma_wait3A_207 = tpu.memref_slice %arg2[%mul3A_2, %dma_wait3A_206] : memref<6400x128xi32, #tpu.memory_space<hbm>> -> memref<200x128xi32, #tpu.memory_space<hbm>>
      %dma_wait3A_208 = arith.constant 0 : i32
      %dma_wait3A_209 = tpu.memref_slice %arg2[%mul3A_2, %dma_wait3A_208] : memref<6400x128xi32, #tpu.memory_space<hbm>> -> memref<200x128xi32, #tpu.memory_space<hbm>>
      tpu.wait_dma2 semaphore(%run_scoped3A : memref<!tpu.dma_semaphore, #tpu.memory_space<semaphore_mem>>) src(%dma_wait3A_209 : memref<200x128xi32, #tpu.memory_space<hbm>>) dst(%arg5 : memref<200x128xi32, #tpu.memory_space<vmem>>)
      tpu.yield
    }) : () -> ()
    %dma_start3A = arith.constant 0 : i32
    %dma_start3A_3 = arith.constant 0 : i32
    %dma_start3A_4 = arith.constant 0 : i32
    %dma_start3A_5 = arith.constant 0 : i32
    %dma_start3A_6 = tpu.memref_slice %arg6[%dma_start3A_3, %dma_start3A_4, %dma_start3A_5] : memref<6x128x128xf32, #tpu.memory_space<vmem>> -> memref<1x128x128xf32, #tpu.memory_space<vmem>>
    %dma_start3A_7 = tpu.memref_squeeze %dma_start3A_6 : memref<1x128x128xf32, #tpu.memory_space<vmem>> -> memref<128x128xf32, #tpu.memory_space<vmem>>
    %dma_start3A_8 = arith.constant 0 : i32
    %dma_start3A_9 = tpu.memref_slice %arg5[%dma_start3A, %dma_start3A_8] : memref<200x128xi32, #tpu.memory_space<vmem>> -> memref<1x128xi32, #tpu.memory_space<vmem>>
    %dma_start3A_10 = tpu.memref_squeeze %dma_start3A_9 : memref<1x128xi32, #tpu.memory_space<vmem>> -> memref<128xi32, #tpu.memory_space<vmem>>
    %dma_start3A_11 = arith.constant 0 : i32
    %dma_start3A_12 = arith.constant 0 : i32
    %dma_start3A_13 = tpu.memref_slice %arg3[%dma_start3A_11, %dma_start3A_12] : memref<100000x128xf32, #tpu.memory_space<hbm>> -> memref<100000x128xf32, #tpu.memory_space<hbm>>
    tpu.enqueue_indirect_dma source(%dma_start3A_13 : memref<100000x128xf32, #tpu.memory_space<hbm>>) target(%dma_start3A_7 : memref<128x128xf32, #tpu.memory_space<vmem>>) offsets(%dma_start3A_10 : memref<128xi32, #tpu.memory_space<vmem>>) semaphore(%arg7 : memref<!tpu.dma_semaphore, #tpu.memory_space<semaphore_mem>>)
    %dma_start3A_14 = arith.constant 1 : i32
    %dma_start3A_15 = arith.constant 1 : i32
    %dma_start3A_16 = arith.constant 0 : i32
    %dma_start3A_17 = arith.constant 0 : i32
    %dma_start3A_18 = tpu.memref_slice %arg6[%dma_start3A_15, %dma_start3A_16, %dma_start3A_17] : memref<6x128x128xf32, #tpu.memory_space<vmem>> -> memref<1x128x128xf32, #tpu.memory_space<vmem>>
    %dma_start3A_19 = tpu.memref_squeeze %dma_start3A_18 : memref<1x128x128xf32, #tpu.memory_space<vmem>> -> memref<128x128xf32, #tpu.memory_space<vmem>>
    %dma_start3A_20 = arith.constant 0 : i32
    %dma_start3A_21 = tpu.memref_slice %arg5[%dma_start3A_14, %dma_start3A_20] : memref<200x128xi32, #tpu.memory_space<vmem>> -> memref<1x128xi32, #tpu.memory_space<vmem>>
    %dma_start3A_22 = tpu.memref_squeeze %dma_start3A_21 : memref<1x128xi32, #tpu.memory_space<vmem>> -> memref<128xi32, #tpu.memory_space<vmem>>
    %dma_start3A_23 = arith.constant 0 : i32
    %dma_start3A_24 = arith.constant 0 : i32
    %dma_start3A_25 = tpu.memref_slice %arg3[%dma_start3A_23, %dma_start3A_24] : memref<100000x128xf32, #tpu.memory_space<hbm>> -> memref<100000x128xf32, #tpu.memory_space<hbm>>
    tpu.enqueue_indirect_dma source(%dma_start3A_25 : memref<100000x128xf32, #tpu.memory_space<hbm>>) target(%dma_start3A_19 : memref<128x128xf32, #tpu.memory_space<vmem>>) offsets(%dma_start3A_22 : memref<128xi32, #tpu.memory_space<vmem>>) semaphore(%arg8 : memref<!tpu.dma_semaphore, #tpu.memory_space<semaphore_mem>>)
    %dma_start3A_26 = arith.constant 2 : i32
    %dma_start3A_27 = arith.constant 2 : i32
    %dma_start3A_28 = arith.constant 0 : i32
    %dma_start3A_29 = arith.constant 0 : i32
    %dma_start3A_30 = tpu.memref_slice %arg6[%dma_start3A_27, %dma_start3A_28, %dma_start3A_29] : memref<6x128x128xf32, #tpu.memory_space<vmem>> -> memref<1x128x128xf32, #tpu.memory_space<vmem>>
    %dma_start3A_31 = tpu.memref_squeeze %dma_start3A_30 : memref<1x128x128xf32, #tpu.memory_space<vmem>> -> memref<128x128xf32, #tpu.memory_space<vmem>>
    %dma_start3A_32 = arith.constant 0 : i32
    %dma_start3A_33 = tpu.memref_slice %arg5[%dma_start3A_26, %dma_start3A_32] : memref<200x128xi32, #tpu.memory_space<vmem>> -> memref<1x128xi32, #tpu.memory_space<vmem>>
    %dma_start3A_34 = tpu.memref_squeeze %dma_start3A_33 : memref<1x128xi32, #tpu.memory_space<vmem>> -> memref<128xi32, #tpu.memory_space<vmem>>
    %dma_start3A_35 = arith.constant 0 : i32
    %dma_start3A_36 = arith.constant 0 : i32
    %dma_start3A_37 = tpu.memref_slice %arg3[%dma_start3A_35, %dma_start3A_36] : memref<100000x128xf32, #tpu.memory_space<hbm>> -> memref<100000x128xf32, #tpu.memory_space<hbm>>
    tpu.enqueue_indirect_dma source(%dma_start3A_37 : memref<100000x128xf32, #tpu.memory_space<hbm>>) target(%dma_start3A_31 : memref<128x128xf32, #tpu.memory_space<vmem>>) offsets(%dma_start3A_34 : memref<128xi32, #tpu.memory_space<vmem>>) semaphore(%arg9 : memref<!tpu.dma_semaphore, #tpu.memory_space<semaphore_mem>>)
    %dma_start3A_38 = arith.constant 3 : i32
    %dma_start3A_39 = arith.constant 3 : i32
    %dma_start3A_40 = arith.constant 0 : i32
    %dma_start3A_41 = arith.constant 0 : i32
    %dma_start3A_42 = tpu.memref_slice %arg6[%dma_start3A_39, %dma_start3A_40, %dma_start3A_41] : memref<6x128x128xf32, #tpu.memory_space<vmem>> -> memref<1x128x128xf32, #tpu.memory_space<vmem>>
    %dma_start3A_43 = tpu.memref_squeeze %dma_start3A_42 : memref<1x128x128xf32, #tpu.memory_space<vmem>> -> memref<128x128xf32, #tpu.memory_space<vmem>>
    %dma_start3A_44 = arith.constant 0 : i32
    %dma_start3A_45 = tpu.memref_slice %arg5[%dma_start3A_38, %dma_start3A_44] : memref<200x128xi32, #tpu.memory_space<vmem>> -> memref<1x128xi32, #tpu.memory_space<vmem>>
    %dma_start3A_46 = tpu.memref_squeeze %dma_start3A_45 : memref<1x128xi32, #tpu.memory_space<vmem>> -> memref<128xi32, #tpu.memory_space<vmem>>
    %dma_start3A_47 = arith.constant 0 : i32
    %dma_start3A_48 = arith.constant 0 : i32
    %dma_start3A_49 = tpu.memref_slice %arg3[%dma_start3A_47, %dma_start3A_48] : memref<100000x128xf32, #tpu.memory_space<hbm>> -> memref<100000x128xf32, #tpu.memory_space<hbm>>
    tpu.enqueue_indirect_dma source(%dma_start3A_49 : memref<100000x128xf32, #tpu.memory_space<hbm>>) target(%dma_start3A_43 : memref<128x128xf32, #tpu.memory_space<vmem>>) offsets(%dma_start3A_46 : memref<128xi32, #tpu.memory_space<vmem>>) semaphore(%arg10 : memref<!tpu.dma_semaphore, #tpu.memory_space<semaphore_mem>>)
    %scan3A = arith.constant 0 : i32
    %scan3A_50 = arith.constant 0 : i32
    %scan3A_51 = arith.constant 33 : i32
    %scan3A_52 = arith.addi %scan3A_50, %scan3A_51 : i32
    %scan3A_53 = arith.constant 1 : i32
    scf.for %scan3A_202 = %scan3A_50 to %scan3A_52 step %scan3A_53  : i32 {
      %mul3A_203 = arith.constant 6 : i32
      %mul3A_204 = arith.muli %scan3A_202, %mul3A_203 : i32
      %add3A_205 = arith.constant 0 : i32
      %add3A_206 = arith.addi %mul3A_204, %add3A_205 : i32
      %add3A_207 = arith.constant 4 : i32
      %add3A_208 = arith.addi %add3A_206, %add3A_207 : i32
      %lt3A = arith.constant 200 : i32
      %lt3A_209 = arith.cmpi slt, %add3A_208, %lt3A : i32
      %convert_element_type3A = arith.extui %lt3A_209 : i1 to i32
      %cond3A = arith.constant 0 : i32
      %cond3A_210 = arith.cmpi ne, %convert_element_type3A, %cond3A : i32
      scf.if %cond3A_210 {
        %ge3A = arith.constant 6 : i32
        %ge3A_424 = arith.cmpi sge, %add3A_208, %ge3A : i32
        %convert_element_type3A_425 = arith.extui %ge3A_424 : i1 to i32
        %cond3A_426 = arith.constant 0 : i32
        %cond3A_427 = arith.cmpi ne, %convert_element_type3A_425, %cond3A_426 : i32
        scf.if %cond3A_427 {
          %dma_wait3A_439 = arith.constant 4 : i32
          %dma_wait3A_440 = arith.constant 0 : i32
          %dma_wait3A_441 = arith.constant 0 : i32
          %dma_wait3A_442 = tpu.memref_slice %arg6[%dma_wait3A_439, %dma_wait3A_440, %dma_wait3A_441] : memref<6x128x128xf32, #tpu.memory_space<vmem>> -> memref<1x128x128xf32, #tpu.memory_space<vmem>>
          %dma_wait3A_443 = tpu.memref_squeeze %dma_wait3A_442 : memref<1x128x128xf32, #tpu.memory_space<vmem>> -> memref<128x128xf32, #tpu.memory_space<vmem>>
          %dma_wait3A_444 = arith.constant 0 : i32
          %dma_wait3A_445 = arith.constant 0 : i32
          %dma_wait3A_446 = tpu.memref_slice %arg4[%dma_wait3A_444, %dma_wait3A_445] : memref<819200x128xf32, #tpu.memory_space<hbm>> -> memref<128x128xf32, #tpu.memory_space<hbm>>
          %dma_wait3A_447 = arith.constant 0 : i32
          %dma_wait3A_448 = arith.constant 0 : i32
          %dma_wait3A_449 = tpu.memref_slice %arg4[%dma_wait3A_447, %dma_wait3A_448] : memref<819200x128xf32, #tpu.memory_space<hbm>> -> memref<128x128xf32, #tpu.memory_space<hbm>>
          %dma_wait3A_450 = arith.constant 0 : i32
          %dma_wait3A_451 = arith.constant 0 : i32
          %dma_wait3A_452 = tpu.memref_slice %arg6[%dma_wait3A_439, %dma_wait3A_450, %dma_wait3A_451] : memref<6x128x128xf32, #tpu.memory_space<vmem>> -> memref<1x128x128xf32, #tpu.memory_space<vmem>>
          %dma_wait3A_453 = tpu.memref_squeeze %dma_wait3A_452 : memref<1x128x128xf32, #tpu.memory_space<vmem>> -> memref<128x128xf32, #tpu.memory_space<vmem>>
          tpu.wait_dma2 semaphore(%arg17 : memref<!tpu.dma_semaphore, #tpu.memory_space<semaphore_mem>>) src(%dma_wait3A_453 : memref<128x128xf32, #tpu.memory_space<vmem>>) dst(%dma_wait3A_449 : memref<128x128xf32, #tpu.memory_space<hbm>>)
        } else {
        }
        %dma_start3A_428 = arith.constant 4 : i32
        %dma_start3A_429 = arith.constant 0 : i32
        %dma_start3A_430 = arith.constant 0 : i32
        %dma_start3A_431 = tpu.memref_slice %arg6[%dma_start3A_428, %dma_start3A_429, %dma_start3A_430] : memref<6x128x128xf32, #tpu.memory_space<vmem>> -> memref<1x128x128xf32, #tpu.memory_space<vmem>>
        %dma_start3A_432 = tpu.memref_squeeze %dma_start3A_431 : memref<1x128x128xf32, #tpu.memory_space<vmem>> -> memref<128x128xf32, #tpu.memory_space<vmem>>
        %dma_start3A_433 = arith.constant 0 : i32
        %dma_start3A_434 = tpu.memref_slice %arg5[%add3A_208, %dma_start3A_433] : memref<200x128xi32, #tpu.memory_space<vmem>> -> memref<1x128xi32, #tpu.memory_space<vmem>>
        %dma_start3A_435 = tpu.memref_squeeze %dma_start3A_434 : memref<1x128xi32, #tpu.memory_space<vmem>> -> memref<128xi32, #tpu.memory_space<vmem>>
        %dma_start3A_436 = arith.constant 0 : i32
        %dma_start3A_437 = arith.constant 0 : i32
        %dma_start3A_438 = tpu.memref_slice %arg3[%dma_start3A_436, %dma_start3A_437] : memref<100000x128xf32, #tpu.memory_space<hbm>> -> memref<100000x128xf32, #tpu.memory_space<hbm>>
        tpu.enqueue_indirect_dma source(%dma_start3A_438 : memref<100000x128xf32, #tpu.memory_space<hbm>>) target(%dma_start3A_432 : memref<128x128xf32, #tpu.memory_space<vmem>>) offsets(%dma_start3A_435 : memref<128xi32, #tpu.memory_space<vmem>>) semaphore(%arg11 : memref<!tpu.dma_semaphore, #tpu.memory_space<semaphore_mem>>)
      } else {
      }
      %dma_wait3A_211 = arith.constant 0 : i32
      %dma_wait3A_212 = arith.constant 0 : i32
      %dma_wait3A_213 = arith.constant 0 : i32
      %dma_wait3A_214 = arith.constant 0 : i32
      %dma_wait3A_215 = tpu.memref_slice %arg6[%dma_wait3A_212, %dma_wait3A_213, %dma_wait3A_214] : memref<6x128x128xf32, #tpu.memory_space<vmem>> -> memref<1x128x128xf32, #tpu.memory_space<vmem>>
      %dma_wait3A_216 = tpu.memref_squeeze %dma_wait3A_215 : memref<1x128x128xf32, #tpu.memory_space<vmem>> -> memref<128x128xf32, #tpu.memory_space<vmem>>
      %dma_wait3A_217 = arith.constant 0 : i32
      %dma_wait3A_218 = tpu.memref_slice %arg5[%dma_wait3A_211, %dma_wait3A_217] : memref<200x128xi32, #tpu.memory_space<vmem>> -> memref<1x128xi32, #tpu.memory_space<vmem>>
      %dma_wait3A_219 = tpu.memref_squeeze %dma_wait3A_218 : memref<1x128xi32, #tpu.memory_space<vmem>> -> memref<128xi32, #tpu.memory_space<vmem>>
      %dma_wait3A_220 = arith.constant 0 : i32
      %dma_wait3A_221 = arith.constant 0 : i32
      %dma_wait3A_222 = tpu.memref_slice %arg3[%dma_wait3A_220, %dma_wait3A_221] : memref<100000x128xf32, #tpu.memory_space<hbm>> -> memref<100000x128xf32, #tpu.memory_space<hbm>>
      tpu.wait_indirect_dma semaphore(%arg7 : memref<!tpu.dma_semaphore, #tpu.memory_space<semaphore_mem>>) src(%dma_wait3A_222 : memref<100000x128xf32, #tpu.memory_space<hbm>>) dst(%dma_wait3A_216 : memref<128x128xf32, #tpu.memory_space<vmem>>)
      %add3A_223 = arith.addi %mul3A_2, %add3A_206 : i32
      %mul3A_224 = arith.constant 128 : i32
      %mul3A_225 = arith.muli %add3A_223, %mul3A_224 : i32
      %dma_start3A_226 = arith.constant 0 : i32
      %dma_start3A_227 = arith.constant 0 : i32
      %dma_start3A_228 = arith.constant 0 : i32
      %dma_start3A_229 = tpu.memref_slice %arg6[%dma_start3A_226, %dma_start3A_227, %dma_start3A_228] : memref<6x128x128xf32, #tpu.memory_space<vmem>> -> memref<1x128x128xf32, #tpu.memory_space<vmem>>
      %dma_start3A_230 = tpu.memref_squeeze %dma_start3A_229 : memref<1x128x128xf32, #tpu.memory_space<vmem>> -> memref<128x128xf32, #tpu.memory_space<vmem>>
      %dma_start3A_231 = arith.constant 0 : i32
      %dma_start3A_232 = tpu.memref_slice %arg4[%mul3A_225, %dma_start3A_231] : memref<819200x128xf32, #tpu.memory_space<hbm>> -> memref<128x128xf32, #tpu.memory_space<hbm>>
      %dma_start3A_233 = arith.constant 0 : i32
      %dma_start3A_234 = tpu.memref_slice %arg4[%mul3A_225, %dma_start3A_233] : memref<819200x128xf32, #tpu.memory_space<hbm>> -> memref<128x128xf32, #tpu.memory_space<hbm>>
      %dma_start3A_235 = arith.constant 0 : i32
      %dma_start3A_236 = arith.constant 0 : i32
      %dma_start3A_237 = tpu.memref_slice %arg6[%dma_start3A_226, %dma_start3A_235, %dma_start3A_236] : memref<6x128x128xf32, #tpu.memory_space<vmem>> -> memref<1x128x128xf32, #tpu.memory_space<vmem>>
      %dma_start3A_238 = tpu.memref_squeeze %dma_start3A_237 : memref<1x128x128xf32, #tpu.memory_space<vmem>> -> memref<128x128xf32, #tpu.memory_space<vmem>>
      tpu.enqueue_dma source(%dma_start3A_238 : memref<128x128xf32, #tpu.memory_space<vmem>>) target(%dma_start3A_234 : memref<128x128xf32, #tpu.memory_space<hbm>>) target_semaphore(%arg13 : memref<!tpu.dma_semaphore, #tpu.memory_space<semaphore_mem>>)
      %add3A_239 = arith.constant 1 : i32
      %add3A_240 = arith.addi %mul3A_204, %add3A_239 : i32
      %add3A_241 = arith.constant 4 : i32
      %add3A_242 = arith.addi %add3A_240, %add3A_241 : i32
      %lt3A_243 = arith.constant 200 : i32
      %lt3A_244 = arith.cmpi slt, %add3A_242, %lt3A_243 : i32
      %convert_element_type3A_245 = arith.extui %lt3A_244 : i1 to i32
      %cond3A_246 = arith.constant 0 : i32
      %cond3A_247 = arith.cmpi ne, %convert_element_type3A_245, %cond3A_246 : i32
      scf.if %cond3A_247 {
        %ge3A = arith.constant 6 : i32
        %ge3A_424 = arith.cmpi sge, %add3A_242, %ge3A : i32
        %convert_element_type3A_425 = arith.extui %ge3A_424 : i1 to i32
        %cond3A_426 = arith.constant 0 : i32
        %cond3A_427 = arith.cmpi ne, %convert_element_type3A_425, %cond3A_426 : i32
        scf.if %cond3A_427 {
          %dma_wait3A_439 = arith.constant 5 : i32
          %dma_wait3A_440 = arith.constant 0 : i32
          %dma_wait3A_441 = arith.constant 0 : i32
          %dma_wait3A_442 = tpu.memref_slice %arg6[%dma_wait3A_439, %dma_wait3A_440, %dma_wait3A_441] : memref<6x128x128xf32, #tpu.memory_space<vmem>> -> memref<1x128x128xf32, #tpu.memory_space<vmem>>
          %dma_wait3A_443 = tpu.memref_squeeze %dma_wait3A_442 : memref<1x128x128xf32, #tpu.memory_space<vmem>> -> memref<128x128xf32, #tpu.memory_space<vmem>>
          %dma_wait3A_444 = arith.constant 0 : i32
          %dma_wait3A_445 = arith.constant 0 : i32
          %dma_wait3A_446 = tpu.memref_slice %arg4[%dma_wait3A_444, %dma_wait3A_445] : memref<819200x128xf32, #tpu.memory_space<hbm>> -> memref<128x128xf32, #tpu.memory_space<hbm>>
          %dma_wait3A_447 = arith.constant 0 : i32
          %dma_wait3A_448 = arith.constant 0 : i32
          %dma_wait3A_449 = tpu.memref_slice %arg4[%dma_wait3A_447, %dma_wait3A_448] : memref<819200x128xf32, #tpu.memory_space<hbm>> -> memref<128x128xf32, #tpu.memory_space<hbm>>
          %dma_wait3A_450 = arith.constant 0 : i32
          %dma_wait3A_451 = arith.constant 0 : i32
          %dma_wait3A_452 = tpu.memref_slice %arg6[%dma_wait3A_439, %dma_wait3A_450, %dma_wait3A_451] : memref<6x128x128xf32, #tpu.memory_space<vmem>> -> memref<1x128x128xf32, #tpu.memory_space<vmem>>
          %dma_wait3A_453 = tpu.memref_squeeze %dma_wait3A_452 : memref<1x128x128xf32, #tpu.memory_space<vmem>> -> memref<128x128xf32, #tpu.memory_space<vmem>>
          tpu.wait_dma2 semaphore(%arg18 : memref<!tpu.dma_semaphore, #tpu.memory_space<semaphore_mem>>) src(%dma_wait3A_453 : memref<128x128xf32, #tpu.memory_space<vmem>>) dst(%dma_wait3A_449 : memref<128x128xf32, #tpu.memory_space<hbm>>)
        } else {
        }
        %dma_start3A_428 = arith.constant 5 : i32
        %dma_start3A_429 = arith.constant 0 : i32
        %dma_start3A_430 = arith.constant 0 : i32
        %dma_start3A_431 = tpu.memref_slice %arg6[%dma_start3A_428, %dma_start3A_429, %dma_start3A_430] : memref<6x128x128xf32, #tpu.memory_space<vmem>> -> memref<1x128x128xf32, #tpu.memory_space<vmem>>
        %dma_start3A_432 = tpu.memref_squeeze %dma_start3A_431 : memref<1x128x128xf32, #tpu.memory_space<vmem>> -> memref<128x128xf32, #tpu.memory_space<vmem>>
        %dma_start3A_433 = arith.constant 0 : i32
        %dma_start3A_434 = tpu.memref_slice %arg5[%add3A_242, %dma_start3A_433] : memref<200x128xi32, #tpu.memory_space<vmem>> -> memref<1x128xi32, #tpu.memory_space<vmem>>
        %dma_start3A_435 = tpu.memref_squeeze %dma_start3A_434 : memref<1x128xi32, #tpu.memory_space<vmem>> -> memref<128xi32, #tpu.memory_space<vmem>>
        %dma_start3A_436 = arith.constant 0 : i32
        %dma_start3A_437 = arith.constant 0 : i32
        %dma_start3A_438 = tpu.memref_slice %arg3[%dma_start3A_436, %dma_start3A_437] : memref<100000x128xf32, #tpu.memory_space<hbm>> -> memref<100000x128xf32, #tpu.memory_space<hbm>>
        tpu.enqueue_indirect_dma source(%dma_start3A_438 : memref<100000x128xf32, #tpu.memory_space<hbm>>) target(%dma_start3A_432 : memref<128x128xf32, #tpu.memory_space<vmem>>) offsets(%dma_start3A_435 : memref<128xi32, #tpu.memory_space<vmem>>) semaphore(%arg12 : memref<!tpu.dma_semaphore, #tpu.memory_space<semaphore_mem>>)
      } else {
      }
      %dma_wait3A_248 = arith.constant 0 : i32
      %dma_wait3A_249 = arith.constant 1 : i32
      %dma_wait3A_250 = arith.constant 0 : i32
      %dma_wait3A_251 = arith.constant 0 : i32
      %dma_wait3A_252 = tpu.memref_slice %arg6[%dma_wait3A_249, %dma_wait3A_250, %dma_wait3A_251] : memref<6x128x128xf32, #tpu.memory_space<vmem>> -> memref<1x128x128xf32, #tpu.memory_space<vmem>>
      %dma_wait3A_253 = tpu.memref_squeeze %dma_wait3A_252 : memref<1x128x128xf32, #tpu.memory_space<vmem>> -> memref<128x128xf32, #tpu.memory_space<vmem>>
      %dma_wait3A_254 = arith.constant 0 : i32
      %dma_wait3A_255 = tpu.memref_slice %arg5[%dma_wait3A_248, %dma_wait3A_254] : memref<200x128xi32, #tpu.memory_space<vmem>> -> memref<1x128xi32, #tpu.memory_space<vmem>>
      %dma_wait3A_256 = tpu.memref_squeeze %dma_wait3A_255 : memref<1x128xi32, #tpu.memory_space<vmem>> -> memref<128xi32, #tpu.memory_space<vmem>>
      %dma_wait3A_257 = arith.constant 0 : i32
      %dma_wait3A_258 = arith.constant 0 : i32
      %dma_wait3A_259 = tpu.memref_slice %arg3[%dma_wait3A_257, %dma_wait3A_258] : memref<100000x128xf32, #tpu.memory_space<hbm>> -> memref<100000x128xf32, #tpu.memory_space<hbm>>
      tpu.wait_indirect_dma semaphore(%arg8 : memref<!tpu.dma_semaphore, #tpu.memory_space<semaphore_mem>>) src(%dma_wait3A_259 : memref<100000x128xf32, #tpu.memory_space<hbm>>) dst(%dma_wait3A_253 : memref<128x128xf32, #tpu.memory_space<vmem>>)
      %add3A_260 = arith.addi %mul3A_2, %add3A_240 : i32
      %mul3A_261 = arith.constant 128 : i32
      %mul3A_262 = arith.muli %add3A_260, %mul3A_261 : i32
      %dma_start3A_263 = arith.constant 1 : i32
      %dma_start3A_264 = arith.constant 0 : i32
      %dma_start3A_265 = arith.constant 0 : i32
      %dma_start3A_266 = tpu.memref_slice %arg6[%dma_start3A_263, %dma_start3A_264, %dma_start3A_265] : memref<6x128x128xf32, #tpu.memory_space<vmem>> -> memref<1x128x128xf32, #tpu.memory_space<vmem>>
      %dma_start3A_267 = tpu.memref_squeeze %dma_start3A_266 : memref<1x128x128xf32, #tpu.memory_space<vmem>> -> memref<128x128xf32, #tpu.memory_space<vmem>>
      %dma_start3A_268 = arith.constant 0 : i32
      %dma_start3A_269 = tpu.memref_slice %arg4[%mul3A_262, %dma_start3A_268] : memref<819200x128xf32, #tpu.memory_space<hbm>> -> memref<128x128xf32, #tpu.memory_space<hbm>>
      %dma_start3A_270 = arith.constant 0 : i32
      %dma_start3A_271 = tpu.memref_slice %arg4[%mul3A_262, %dma_start3A_270] : memref<819200x128xf32, #tpu.memory_space<hbm>> -> memref<128x128xf32, #tpu.memory_space<hbm>>
      %dma_start3A_272 = arith.constant 0 : i32
      %dma_start3A_273 = arith.constant 0 : i32
      %dma_start3A_274 = tpu.memref_slice %arg6[%dma_start3A_263, %dma_start3A_272, %dma_start3A_273] : memref<6x128x128xf32, #tpu.memory_space<vmem>> -> memref<1x128x128xf32, #tpu.memory_space<vmem>>
      %dma_start3A_275 = tpu.memref_squeeze %dma_start3A_274 : memref<1x128x128xf32, #tpu.memory_space<vmem>> -> memref<128x128xf32, #tpu.memory_space<vmem>>
      tpu.enqueue_dma source(%dma_start3A_275 : memref<128x128xf32, #tpu.memory_space<vmem>>) target(%dma_start3A_271 : memref<128x128xf32, #tpu.memory_space<hbm>>) target_semaphore(%arg14 : memref<!tpu.dma_semaphore, #tpu.memory_space<semaphore_mem>>)
      %add3A_276 = arith.constant 2 : i32
      %add3A_277 = arith.addi %mul3A_204, %add3A_276 : i32
      %add3A_278 = arith.constant 4 : i32
      %add3A_279 = arith.addi %add3A_277, %add3A_278 : i32
      %lt3A_280 = arith.constant 200 : i32
      %lt3A_281 = arith.cmpi slt, %add3A_279, %lt3A_280 : i32
      %convert_element_type3A_282 = arith.extui %lt3A_281 : i1 to i32
      %cond3A_283 = arith.constant 0 : i32
      %cond3A_284 = arith.cmpi ne, %convert_element_type3A_282, %cond3A_283 : i32
      scf.if %cond3A_284 {
        %ge3A = arith.constant 6 : i32
        %ge3A_424 = arith.cmpi sge, %add3A_279, %ge3A : i32
        %convert_element_type3A_425 = arith.extui %ge3A_424 : i1 to i32
        %cond3A_426 = arith.constant 0 : i32
        %cond3A_427 = arith.cmpi ne, %convert_element_type3A_425, %cond3A_426 : i32
        scf.if %cond3A_427 {
          %dma_wait3A_439 = arith.constant 0 : i32
          %dma_wait3A_440 = arith.constant 0 : i32
          %dma_wait3A_441 = arith.constant 0 : i32
          %dma_wait3A_442 = tpu.memref_slice %arg6[%dma_wait3A_439, %dma_wait3A_440, %dma_wait3A_441] : memref<6x128x128xf32, #tpu.memory_space<vmem>> -> memref<1x128x128xf32, #tpu.memory_space<vmem>>
          %dma_wait3A_443 = tpu.memref_squeeze %dma_wait3A_442 : memref<1x128x128xf32, #tpu.memory_space<vmem>> -> memref<128x128xf32, #tpu.memory_space<vmem>>
          %dma_wait3A_444 = arith.constant 0 : i32
          %dma_wait3A_445 = arith.constant 0 : i32
          %dma_wait3A_446 = tpu.memref_slice %arg4[%dma_wait3A_444, %dma_wait3A_445] : memref<819200x128xf32, #tpu.memory_space<hbm>> -> memref<128x128xf32, #tpu.memory_space<hbm>>
          %dma_wait3A_447 = arith.constant 0 : i32
          %dma_wait3A_448 = arith.constant 0 : i32
          %dma_wait3A_449 = tpu.memref_slice %arg4[%dma_wait3A_447, %dma_wait3A_448] : memref<819200x128xf32, #tpu.memory_space<hbm>> -> memref<128x128xf32, #tpu.memory_space<hbm>>
          %dma_wait3A_450 = arith.constant 0 : i32
          %dma_wait3A_451 = arith.constant 0 : i32
          %dma_wait3A_452 = tpu.memref_slice %arg6[%dma_wait3A_439, %dma_wait3A_450, %dma_wait3A_451] : memref<6x128x128xf32, #tpu.memory_space<vmem>> -> memref<1x128x128xf32, #tpu.memory_space<vmem>>
          %dma_wait3A_453 = tpu.memref_squeeze %dma_wait3A_452 : memref<1x128x128xf32, #tpu.memory_space<vmem>> -> memref<128x128xf32, #tpu.memory_space<vmem>>
          tpu.wait_dma2 semaphore(%arg13 : memref<!tpu.dma_semaphore, #tpu.memory_space<semaphore_mem>>) src(%dma_wait3A_453 : memref<128x128xf32, #tpu.memory_space<vmem>>) dst(%dma_wait3A_449 : memref<128x128xf32, #tpu.memory_space<hbm>>)
        } else {
        }
        %dma_start3A_428 = arith.constant 0 : i32
        %dma_start3A_429 = arith.constant 0 : i32
        %dma_start3A_430 = arith.constant 0 : i32
        %dma_start3A_431 = tpu.memref_slice %arg6[%dma_start3A_428, %dma_start3A_429, %dma_start3A_430] : memref<6x128x128xf32, #tpu.memory_space<vmem>> -> memref<1x128x128xf32, #tpu.memory_space<vmem>>
        %dma_start3A_432 = tpu.memref_squeeze %dma_start3A_431 : memref<1x128x128xf32, #tpu.memory_space<vmem>> -> memref<128x128xf32, #tpu.memory_space<vmem>>
        %dma_start3A_433 = arith.constant 0 : i32
        %dma_start3A_434 = tpu.memref_slice %arg5[%add3A_279, %dma_start3A_433] : memref<200x128xi32, #tpu.memory_space<vmem>> -> memref<1x128xi32, #tpu.memory_space<vmem>>
        %dma_start3A_435 = tpu.memref_squeeze %dma_start3A_434 : memref<1x128xi32, #tpu.memory_space<vmem>> -> memref<128xi32, #tpu.memory_space<vmem>>
        %dma_start3A_436 = arith.constant 0 : i32
        %dma_start3A_437 = arith.constant 0 : i32
        %dma_start3A_438 = tpu.memref_slice %arg3[%dma_start3A_436, %dma_start3A_437] : memref<100000x128xf32, #tpu.memory_space<hbm>> -> memref<100000x128xf32, #tpu.memory_space<hbm>>
        tpu.enqueue_indirect_dma source(%dma_start3A_438 : memref<100000x128xf32, #tpu.memory_space<hbm>>) target(%dma_start3A_432 : memref<128x128xf32, #tpu.memory_space<vmem>>) offsets(%dma_start3A_435 : memref<128xi32, #tpu.memory_space<vmem>>) semaphore(%arg7 : memref<!tpu.dma_semaphore, #tpu.memory_space<semaphore_mem>>)
      } else {
      }
      %dma_wait3A_285 = arith.constant 0 : i32
      %dma_wait3A_286 = arith.constant 2 : i32
      %dma_wait3A_287 = arith.constant 0 : i32
      %dma_wait3A_288 = arith.constant 0 : i32
      %dma_wait3A_289 = tpu.memref_slice %arg6[%dma_wait3A_286, %dma_wait3A_287, %dma_wait3A_288] : memref<6x128x128xf32, #tpu.memory_space<vmem>> -> memref<1x128x128xf32, #tpu.memory_space<vmem>>
      %dma_wait3A_290 = tpu.memref_squeeze %dma_wait3A_289 : memref<1x128x128xf32, #tpu.memory_space<vmem>> -> memref<128x128xf32, #tpu.memory_space<vmem>>
      %dma_wait3A_291 = arith.constant 0 : i32
      %dma_wait3A_292 = tpu.memref_slice %arg5[%dma_wait3A_285, %dma_wait3A_291] : memref<200x128xi32, #tpu.memory_space<vmem>> -> memref<1x128xi32, #tpu.memory_space<vmem>>
      %dma_wait3A_293 = tpu.memref_squeeze %dma_wait3A_292 : memref<1x128xi32, #tpu.memory_space<vmem>> -> memref<128xi32, #tpu.memory_space<vmem>>
      %dma_wait3A_294 = arith.constant 0 : i32
      %dma_wait3A_295 = arith.constant 0 : i32
      %dma_wait3A_296 = tpu.memref_slice %arg3[%dma_wait3A_294, %dma_wait3A_295] : memref<100000x128xf32, #tpu.memory_space<hbm>> -> memref<100000x128xf32, #tpu.memory_space<hbm>>
      tpu.wait_indirect_dma semaphore(%arg9 : memref<!tpu.dma_semaphore, #tpu.memory_space<semaphore_mem>>) src(%dma_wait3A_296 : memref<100000x128xf32, #tpu.memory_space<hbm>>) dst(%dma_wait3A_290 : memref<128x128xf32, #tpu.memory_space<vmem>>)
      %add3A_297 = arith.addi %mul3A_2, %add3A_277 : i32
      %mul3A_298 = arith.constant 128 : i32
      %mul3A_299 = arith.muli %add3A_297, %mul3A_298 : i32
      %dma_start3A_300 = arith.constant 2 : i32
      %dma_start3A_301 = arith.constant 0 : i32
      %dma_start3A_302 = arith.constant 0 : i32
      %dma_start3A_303 = tpu.memref_slice %arg6[%dma_start3A_300, %dma_start3A_301, %dma_start3A_302] : memref<6x128x128xf32, #tpu.memory_space<vmem>> -> memref<1x128x128xf32, #tpu.memory_space<vmem>>
      %dma_start3A_304 = tpu.memref_squeeze %dma_start3A_303 : memref<1x128x128xf32, #tpu.memory_space<vmem>> -> memref<128x128xf32, #tpu.memory_space<vmem>>
      %dma_start3A_305 = arith.constant 0 : i32
      %dma_start3A_306 = tpu.memref_slice %arg4[%mul3A_299, %dma_start3A_305] : memref<819200x128xf32, #tpu.memory_space<hbm>> -> memref<128x128xf32, #tpu.memory_space<hbm>>
      %dma_start3A_307 = arith.constant 0 : i32
      %dma_start3A_308 = tpu.memref_slice %arg4[%mul3A_299, %dma_start3A_307] : memref<819200x128xf32, #tpu.memory_space<hbm>> -> memref<128x128xf32, #tpu.memory_space<hbm>>
      %dma_start3A_309 = arith.constant 0 : i32
      %dma_start3A_310 = arith.constant 0 : i32
      %dma_start3A_311 = tpu.memref_slice %arg6[%dma_start3A_300, %dma_start3A_309, %dma_start3A_310] : memref<6x128x128xf32, #tpu.memory_space<vmem>> -> memref<1x128x128xf32, #tpu.memory_space<vmem>>
      %dma_start3A_312 = tpu.memref_squeeze %dma_start3A_311 : memref<1x128x128xf32, #tpu.memory_space<vmem>> -> memref<128x128xf32, #tpu.memory_space<vmem>>
      tpu.enqueue_dma source(%dma_start3A_312 : memref<128x128xf32, #tpu.memory_space<vmem>>) target(%dma_start3A_308 : memref<128x128xf32, #tpu.memory_space<hbm>>) target_semaphore(%arg15 : memref<!tpu.dma_semaphore, #tpu.memory_space<semaphore_mem>>)
      %add3A_313 = arith.constant 3 : i32
      %add3A_314 = arith.addi %mul3A_204, %add3A_313 : i32
      %add3A_315 = arith.constant 4 : i32
      %add3A_316 = arith.addi %add3A_314, %add3A_315 : i32
      %lt3A_317 = arith.constant 200 : i32
      %lt3A_318 = arith.cmpi slt, %add3A_316, %lt3A_317 : i32
      %convert_element_type3A_319 = arith.extui %lt3A_318 : i1 to i32
      %cond3A_320 = arith.constant 0 : i32
      %cond3A_321 = arith.cmpi ne, %convert_element_type3A_319, %cond3A_320 : i32
      scf.if %cond3A_321 {
        %ge3A = arith.constant 6 : i32
        %ge3A_424 = arith.cmpi sge, %add3A_316, %ge3A : i32
        %convert_element_type3A_425 = arith.extui %ge3A_424 : i1 to i32
        %cond3A_426 = arith.constant 0 : i32
        %cond3A_427 = arith.cmpi ne, %convert_element_type3A_425, %cond3A_426 : i32
        scf.if %cond3A_427 {
          %dma_wait3A_439 = arith.constant 1 : i32
          %dma_wait3A_440 = arith.constant 0 : i32
          %dma_wait3A_441 = arith.constant 0 : i32
          %dma_wait3A_442 = tpu.memref_slice %arg6[%dma_wait3A_439, %dma_wait3A_440, %dma_wait3A_441] : memref<6x128x128xf32, #tpu.memory_space<vmem>> -> memref<1x128x128xf32, #tpu.memory_space<vmem>>
          %dma_wait3A_443 = tpu.memref_squeeze %dma_wait3A_442 : memref<1x128x128xf32, #tpu.memory_space<vmem>> -> memref<128x128xf32, #tpu.memory_space<vmem>>
          %dma_wait3A_444 = arith.constant 0 : i32
          %dma_wait3A_445 = arith.constant 0 : i32
          %dma_wait3A_446 = tpu.memref_slice %arg4[%dma_wait3A_444, %dma_wait3A_445] : memref<819200x128xf32, #tpu.memory_space<hbm>> -> memref<128x128xf32, #tpu.memory_space<hbm>>
          %dma_wait3A_447 = arith.constant 0 : i32
          %dma_wait3A_448 = arith.constant 0 : i32
          %dma_wait3A_449 = tpu.memref_slice %arg4[%dma_wait3A_447, %dma_wait3A_448] : memref<819200x128xf32, #tpu.memory_space<hbm>> -> memref<128x128xf32, #tpu.memory_space<hbm>>
          %dma_wait3A_450 = arith.constant 0 : i32
          %dma_wait3A_451 = arith.constant 0 : i32
          %dma_wait3A_452 = tpu.memref_slice %arg6[%dma_wait3A_439, %dma_wait3A_450, %dma_wait3A_451] : memref<6x128x128xf32, #tpu.memory_space<vmem>> -> memref<1x128x128xf32, #tpu.memory_space<vmem>>
          %dma_wait3A_453 = tpu.memref_squeeze %dma_wait3A_452 : memref<1x128x128xf32, #tpu.memory_space<vmem>> -> memref<128x128xf32, #tpu.memory_space<vmem>>
          tpu.wait_dma2 semaphore(%arg14 : memref<!tpu.dma_semaphore, #tpu.memory_space<semaphore_mem>>) src(%dma_wait3A_453 : memref<128x128xf32, #tpu.memory_space<vmem>>) dst(%dma_wait3A_449 : memref<128x128xf32, #tpu.memory_space<hbm>>)
        } else {
        }
        %dma_start3A_428 = arith.constant 1 : i32
        %dma_start3A_429 = arith.constant 0 : i32
        %dma_start3A_430 = arith.constant 0 : i32
        %dma_start3A_431 = tpu.memref_slice %arg6[%dma_start3A_428, %dma_start3A_429, %dma_start3A_430] : memref<6x128x128xf32, #tpu.memory_space<vmem>> -> memref<1x128x128xf32, #tpu.memory_space<vmem>>
        %dma_start3A_432 = tpu.memref_squeeze %dma_start3A_431 : memref<1x128x128xf32, #tpu.memory_space<vmem>> -> memref<128x128xf32, #tpu.memory_space<vmem>>
        %dma_start3A_433 = arith.constant 0 : i32
        %dma_start3A_434 = tpu.memref_slice %arg5[%add3A_316, %dma_start3A_433] : memref<200x128xi32, #tpu.memory_space<vmem>> -> memref<1x128xi32, #tpu.memory_space<vmem>>
        %dma_start3A_435 = tpu.memref_squeeze %dma_start3A_434 : memref<1x128xi32, #tpu.memory_space<vmem>> -> memref<128xi32, #tpu.memory_space<vmem>>
        %dma_start3A_436 = arith.constant 0 : i32
        %dma_start3A_437 = arith.constant 0 : i32
        %dma_start3A_438 = tpu.memref_slice %arg3[%dma_start3A_436, %dma_start3A_437] : memref<100000x128xf32, #tpu.memory_space<hbm>> -> memref<100000x128xf32, #tpu.memory_space<hbm>>
        tpu.enqueue_indirect_dma source(%dma_start3A_438 : memref<100000x128xf32, #tpu.memory_space<hbm>>) target(%dma_start3A_432 : memref<128x128xf32, #tpu.memory_space<vmem>>) offsets(%dma_start3A_435 : memref<128xi32, #tpu.memory_space<vmem>>) semaphore(%arg8 : memref<!tpu.dma_semaphore, #tpu.memory_space<semaphore_mem>>)
      } else {
      }
      %dma_wait3A_322 = arith.constant 0 : i32
      %dma_wait3A_323 = arith.constant 3 : i32
      %dma_wait3A_324 = arith.constant 0 : i32
      %dma_wait3A_325 = arith.constant 0 : i32
      %dma_wait3A_326 = tpu.memref_slice %arg6[%dma_wait3A_323, %dma_wait3A_324, %dma_wait3A_325] : memref<6x128x128xf32, #tpu.memory_space<vmem>> -> memref<1x128x128xf32, #tpu.memory_space<vmem>>
      %dma_wait3A_327 = tpu.memref_squeeze %dma_wait3A_326 : memref<1x128x128xf32, #tpu.memory_space<vmem>> -> memref<128x128xf32, #tpu.memory_space<vmem>>
      %dma_wait3A_328 = arith.constant 0 : i32
      %dma_wait3A_329 = tpu.memref_slice %arg5[%dma_wait3A_322, %dma_wait3A_328] : memref<200x128xi32, #tpu.memory_space<vmem>> -> memref<1x128xi32, #tpu.memory_space<vmem>>
      %dma_wait3A_330 = tpu.memref_squeeze %dma_wait3A_329 : memref<1x128xi32, #tpu.memory_space<vmem>> -> memref<128xi32, #tpu.memory_space<vmem>>
      %dma_wait3A_331 = arith.constant 0 : i32
      %dma_wait3A_332 = arith.constant 0 : i32
      %dma_wait3A_333 = tpu.memref_slice %arg3[%dma_wait3A_331, %dma_wait3A_332] : memref<100000x128xf32, #tpu.memory_space<hbm>> -> memref<100000x128xf32, #tpu.memory_space<hbm>>
      tpu.wait_indirect_dma semaphore(%arg10 : memref<!tpu.dma_semaphore, #tpu.memory_space<semaphore_mem>>) src(%dma_wait3A_333 : memref<100000x128xf32, #tpu.memory_space<hbm>>) dst(%dma_wait3A_327 : memref<128x128xf32, #tpu.memory_space<vmem>>)
      %add3A_334 = arith.addi %mul3A_2, %add3A_314 : i32
      %mul3A_335 = arith.constant 128 : i32
      %mul3A_336 = arith.muli %add3A_334, %mul3A_335 : i32
      %dma_start3A_337 = arith.constant 3 : i32
      %dma_start3A_338 = arith.constant 0 : i32
      %dma_start3A_339 = arith.constant 0 : i32
      %dma_start3A_340 = tpu.memref_slice %arg6[%dma_start3A_337, %dma_start3A_338, %dma_start3A_339] : memref<6x128x128xf32, #tpu.memory_space<vmem>> -> memref<1x128x128xf32, #tpu.memory_space<vmem>>
      %dma_start3A_341 = tpu.memref_squeeze %dma_start3A_340 : memref<1x128x128xf32, #tpu.memory_space<vmem>> -> memref<128x128xf32, #tpu.memory_space<vmem>>
      %dma_start3A_342 = arith.constant 0 : i32
      %dma_start3A_343 = tpu.memref_slice %arg4[%mul3A_336, %dma_start3A_342] : memref<819200x128xf32, #tpu.memory_space<hbm>> -> memref<128x128xf32, #tpu.memory_space<hbm>>
      %dma_start3A_344 = arith.constant 0 : i32
      %dma_start3A_345 = tpu.memref_slice %arg4[%mul3A_336, %dma_start3A_344] : memref<819200x128xf32, #tpu.memory_space<hbm>> -> memref<128x128xf32, #tpu.memory_space<hbm>>
      %dma_start3A_346 = arith.constant 0 : i32
      %dma_start3A_347 = arith.constant 0 : i32
      %dma_start3A_348 = tpu.memref_slice %arg6[%dma_start3A_337, %dma_start3A_346, %dma_start3A_347] : memref<6x128x128xf32, #tpu.memory_space<vmem>> -> memref<1x128x128xf32, #tpu.memory_space<vmem>>
      %dma_start3A_349 = tpu.memref_squeeze %dma_start3A_348 : memref<1x128x128xf32, #tpu.memory_space<vmem>> -> memref<128x128xf32, #tpu.memory_space<vmem>>
      tpu.enqueue_dma source(%dma_start3A_349 : memref<128x128xf32, #tpu.memory_space<vmem>>) target(%dma_start3A_345 : memref<128x128xf32, #tpu.memory_space<hbm>>) target_semaphore(%arg16 : memref<!tpu.dma_semaphore, #tpu.memory_space<semaphore_mem>>)
      %add3A_350 = arith.constant 4 : i32
      %add3A_351 = arith.addi %mul3A_204, %add3A_350 : i32
      %add3A_352 = arith.constant 4 : i32
      %add3A_353 = arith.addi %add3A_351, %add3A_352 : i32
      %lt3A_354 = arith.constant 200 : i32
      %lt3A_355 = arith.cmpi slt, %add3A_353, %lt3A_354 : i32
      %convert_element_type3A_356 = arith.extui %lt3A_355 : i1 to i32
      %cond3A_357 = arith.constant 0 : i32
      %cond3A_358 = arith.cmpi ne, %convert_element_type3A_356, %cond3A_357 : i32
      scf.if %cond3A_358 {
        %ge3A = arith.constant 6 : i32
        %ge3A_424 = arith.cmpi sge, %add3A_353, %ge3A : i32
        %convert_element_type3A_425 = arith.extui %ge3A_424 : i1 to i32
        %cond3A_426 = arith.constant 0 : i32
        %cond3A_427 = arith.cmpi ne, %convert_element_type3A_425, %cond3A_426 : i32
        scf.if %cond3A_427 {
          %dma_wait3A_439 = arith.constant 2 : i32
          %dma_wait3A_440 = arith.constant 0 : i32
          %dma_wait3A_441 = arith.constant 0 : i32
          %dma_wait3A_442 = tpu.memref_slice %arg6[%dma_wait3A_439, %dma_wait3A_440, %dma_wait3A_441] : memref<6x128x128xf32, #tpu.memory_space<vmem>> -> memref<1x128x128xf32, #tpu.memory_space<vmem>>
          %dma_wait3A_443 = tpu.memref_squeeze %dma_wait3A_442 : memref<1x128x128xf32, #tpu.memory_space<vmem>> -> memref<128x128xf32, #tpu.memory_space<vmem>>
          %dma_wait3A_444 = arith.constant 0 : i32
          %dma_wait3A_445 = arith.constant 0 : i32
          %dma_wait3A_446 = tpu.memref_slice %arg4[%dma_wait3A_444, %dma_wait3A_445] : memref<819200x128xf32, #tpu.memory_space<hbm>> -> memref<128x128xf32, #tpu.memory_space<hbm>>
          %dma_wait3A_447 = arith.constant 0 : i32
          %dma_wait3A_448 = arith.constant 0 : i32
          %dma_wait3A_449 = tpu.memref_slice %arg4[%dma_wait3A_447, %dma_wait3A_448] : memref<819200x128xf32, #tpu.memory_space<hbm>> -> memref<128x128xf32, #tpu.memory_space<hbm>>
          %dma_wait3A_450 = arith.constant 0 : i32
          %dma_wait3A_451 = arith.constant 0 : i32
          %dma_wait3A_452 = tpu.memref_slice %arg6[%dma_wait3A_439, %dma_wait3A_450, %dma_wait3A_451] : memref<6x128x128xf32, #tpu.memory_space<vmem>> -> memref<1x128x128xf32, #tpu.memory_space<vmem>>
          %dma_wait3A_453 = tpu.memref_squeeze %dma_wait3A_452 : memref<1x128x128xf32, #tpu.memory_space<vmem>> -> memref<128x128xf32, #tpu.memory_space<vmem>>
          tpu.wait_dma2 semaphore(%arg15 : memref<!tpu.dma_semaphore, #tpu.memory_space<semaphore_mem>>) src(%dma_wait3A_453 : memref<128x128xf32, #tpu.memory_space<vmem>>) dst(%dma_wait3A_449 : memref<128x128xf32, #tpu.memory_space<hbm>>)
        } else {
        }
        %dma_start3A_428 = arith.constant 2 : i32
        %dma_start3A_429 = arith.constant 0 : i32
        %dma_start3A_430 = arith.constant 0 : i32
        %dma_start3A_431 = tpu.memref_slice %arg6[%dma_start3A_428, %dma_start3A_429, %dma_start3A_430] : memref<6x128x128xf32, #tpu.memory_space<vmem>> -> memref<1x128x128xf32, #tpu.memory_space<vmem>>
        %dma_start3A_432 = tpu.memref_squeeze %dma_start3A_431 : memref<1x128x128xf32, #tpu.memory_space<vmem>> -> memref<128x128xf32, #tpu.memory_space<vmem>>
        %dma_start3A_433 = arith.constant 0 : i32
        %dma_start3A_434 = tpu.memref_slice %arg5[%add3A_353, %dma_start3A_433] : memref<200x128xi32, #tpu.memory_space<vmem>> -> memref<1x128xi32, #tpu.memory_space<vmem>>
        %dma_start3A_435 = tpu.memref_squeeze %dma_start3A_434 : memref<1x128xi32, #tpu.memory_space<vmem>> -> memref<128xi32, #tpu.memory_space<vmem>>
        %dma_start3A_436 = arith.constant 0 : i32
        %dma_start3A_437 = arith.constant 0 : i32
        %dma_start3A_438 = tpu.memref_slice %arg3[%dma_start3A_436, %dma_start3A_437] : memref<100000x128xf32, #tpu.memory_space<hbm>> -> memref<100000x128xf32, #tpu.memory_space<hbm>>
        tpu.enqueue_indirect_dma source(%dma_start3A_438 : memref<100000x128xf32, #tpu.memory_space<hbm>>) target(%dma_start3A_432 : memref<128x128xf32, #tpu.memory_space<vmem>>) offsets(%dma_start3A_435 : memref<128xi32, #tpu.memory_space<vmem>>) semaphore(%arg9 : memref<!tpu.dma_semaphore, #tpu.memory_space<semaphore_mem>>)
      } else {
      }
      %dma_wait3A_359 = arith.constant 0 : i32
      %dma_wait3A_360 = arith.constant 4 : i32
      %dma_wait3A_361 = arith.constant 0 : i32
      %dma_wait3A_362 = arith.constant 0 : i32
      %dma_wait3A_363 = tpu.memref_slice %arg6[%dma_wait3A_360, %dma_wait3A_361, %dma_wait3A_362] : memref<6x128x128xf32, #tpu.memory_space<vmem>> -> memref<1x128x128xf32, #tpu.memory_space<vmem>>
      %dma_wait3A_364 = tpu.memref_squeeze %dma_wait3A_363 : memref<1x128x128xf32, #tpu.memory_space<vmem>> -> memref<128x128xf32, #tpu.memory_space<vmem>>
      %dma_wait3A_365 = arith.constant 0 : i32
      %dma_wait3A_366 = tpu.memref_slice %arg5[%dma_wait3A_359, %dma_wait3A_365] : memref<200x128xi32, #tpu.memory_space<vmem>> -> memref<1x128xi32, #tpu.memory_space<vmem>>
      %dma_wait3A_367 = tpu.memref_squeeze %dma_wait3A_366 : memref<1x128xi32, #tpu.memory_space<vmem>> -> memref<128xi32, #tpu.memory_space<vmem>>
      %dma_wait3A_368 = arith.constant 0 : i32
      %dma_wait3A_369 = arith.constant 0 : i32
      %dma_wait3A_370 = tpu.memref_slice %arg3[%dma_wait3A_368, %dma_wait3A_369] : memref<100000x128xf32, #tpu.memory_space<hbm>> -> memref<100000x128xf32, #tpu.memory_space<hbm>>
      tpu.wait_indirect_dma semaphore(%arg11 : memref<!tpu.dma_semaphore, #tpu.memory_space<semaphore_mem>>) src(%dma_wait3A_370 : memref<100000x128xf32, #tpu.memory_space<hbm>>) dst(%dma_wait3A_364 : memref<128x128xf32, #tpu.memory_space<vmem>>)
      %add3A_371 = arith.addi %mul3A_2, %add3A_351 : i32
      %mul3A_372 = arith.constant 128 : i32
      %mul3A_373 = arith.muli %add3A_371, %mul3A_372 : i32
      %dma_start3A_374 = arith.constant 4 : i32
      %dma_start3A_375 = arith.constant 0 : i32
      %dma_start3A_376 = arith.constant 0 : i32
      %dma_start3A_377 = tpu.memref_slice %arg6[%dma_start3A_374, %dma_start3A_375, %dma_start3A_376] : memref<6x128x128xf32, #tpu.memory_space<vmem>> -> memref<1x128x128xf32, #tpu.memory_space<vmem>>
      %dma_start3A_378 = tpu.memref_squeeze %dma_start3A_377 : memref<1x128x128xf32, #tpu.memory_space<vmem>> -> memref<128x128xf32, #tpu.memory_space<vmem>>
      %dma_start3A_379 = arith.constant 0 : i32
      %dma_start3A_380 = tpu.memref_slice %arg4[%mul3A_373, %dma_start3A_379] : memref<819200x128xf32, #tpu.memory_space<hbm>> -> memref<128x128xf32, #tpu.memory_space<hbm>>
      %dma_start3A_381 = arith.constant 0 : i32
      %dma_start3A_382 = tpu.memref_slice %arg4[%mul3A_373, %dma_start3A_381] : memref<819200x128xf32, #tpu.memory_space<hbm>> -> memref<128x128xf32, #tpu.memory_space<hbm>>
      %dma_start3A_383 = arith.constant 0 : i32
      %dma_start3A_384 = arith.constant 0 : i32
      %dma_start3A_385 = tpu.memref_slice %arg6[%dma_start3A_374, %dma_start3A_383, %dma_start3A_384] : memref<6x128x128xf32, #tpu.memory_space<vmem>> -> memref<1x128x128xf32, #tpu.memory_space<vmem>>
      %dma_start3A_386 = tpu.memref_squeeze %dma_start3A_385 : memref<1x128x128xf32, #tpu.memory_space<vmem>> -> memref<128x128xf32, #tpu.memory_space<vmem>>
      tpu.enqueue_dma source(%dma_start3A_386 : memref<128x128xf32, #tpu.memory_space<vmem>>) target(%dma_start3A_382 : memref<128x128xf32, #tpu.memory_space<hbm>>) target_semaphore(%arg17 : memref<!tpu.dma_semaphore, #tpu.memory_space<semaphore_mem>>)
      %add3A_387 = arith.constant 5 : i32
      %add3A_388 = arith.addi %mul3A_204, %add3A_387 : i32
      %add3A_389 = arith.constant 4 : i32
      %add3A_390 = arith.addi %add3A_388, %add3A_389 : i32
      %lt3A_391 = arith.constant 200 : i32
      %lt3A_392 = arith.cmpi slt, %add3A_390, %lt3A_391 : i32
      %convert_element_type3A_393 = arith.extui %lt3A_392 : i1 to i32
      %cond3A_394 = arith.constant 0 : i32
      %cond3A_395 = arith.cmpi ne, %convert_element_type3A_393, %cond3A_394 : i32
      scf.if %cond3A_395 {
        %ge3A = arith.constant 6 : i32
        %ge3A_424 = arith.cmpi sge, %add3A_390, %ge3A : i32
        %convert_element_type3A_425 = arith.extui %ge3A_424 : i1 to i32
        %cond3A_426 = arith.constant 0 : i32
        %cond3A_427 = arith.cmpi ne, %convert_element_type3A_425, %cond3A_426 : i32
        scf.if %cond3A_427 {
          %dma_wait3A_439 = arith.constant 3 : i32
          %dma_wait3A_440 = arith.constant 0 : i32
          %dma_wait3A_441 = arith.constant 0 : i32
          %dma_wait3A_442 = tpu.memref_slice %arg6[%dma_wait3A_439, %dma_wait3A_440, %dma_wait3A_441] : memref<6x128x128xf32, #tpu.memory_space<vmem>> -> memref<1x128x128xf32, #tpu.memory_space<vmem>>
          %dma_wait3A_443 = tpu.memref_squeeze %dma_wait3A_442 : memref<1x128x128xf32, #tpu.memory_space<vmem>> -> memref<128x128xf32, #tpu.memory_space<vmem>>
          %dma_wait3A_444 = arith.constant 0 : i32
          %dma_wait3A_445 = arith.constant 0 : i32
          %dma_wait3A_446 = tpu.memref_slice %arg4[%dma_wait3A_444, %dma_wait3A_445] : memref<819200x128xf32, #tpu.memory_space<hbm>> -> memref<128x128xf32, #tpu.memory_space<hbm>>
          %dma_wait3A_447 = arith.constant 0 : i32
          %dma_wait3A_448 = arith.constant 0 : i32
          %dma_wait3A_449 = tpu.memref_slice %arg4[%dma_wait3A_447, %dma_wait3A_448] : memref<819200x128xf32, #tpu.memory_space<hbm>> -> memref<128x128xf32, #tpu.memory_space<hbm>>
          %dma_wait3A_450 = arith.constant 0 : i32
          %dma_wait3A_451 = arith.constant 0 : i32
          %dma_wait3A_452 = tpu.memref_slice %arg6[%dma_wait3A_439, %dma_wait3A_450, %dma_wait3A_451] : memref<6x128x128xf32, #tpu.memory_space<vmem>> -> memref<1x128x128xf32, #tpu.memory_space<vmem>>
          %dma_wait3A_453 = tpu.memref_squeeze %dma_wait3A_452 : memref<1x128x128xf32, #tpu.memory_space<vmem>> -> memref<128x128xf32, #tpu.memory_space<vmem>>
          tpu.wait_dma2 semaphore(%arg16 : memref<!tpu.dma_semaphore, #tpu.memory_space<semaphore_mem>>) src(%dma_wait3A_453 : memref<128x128xf32, #tpu.memory_space<vmem>>) dst(%dma_wait3A_449 : memref<128x128xf32, #tpu.memory_space<hbm>>)
        } else {
        }
        %dma_start3A_428 = arith.constant 3 : i32
        %dma_start3A_429 = arith.constant 0 : i32
        %dma_start3A_430 = arith.constant 0 : i32
        %dma_start3A_431 = tpu.memref_slice %arg6[%dma_start3A_428, %dma_start3A_429, %dma_start3A_430] : memref<6x128x128xf32, #tpu.memory_space<vmem>> -> memref<1x128x128xf32, #tpu.memory_space<vmem>>
        %dma_start3A_432 = tpu.memref_squeeze %dma_start3A_431 : memref<1x128x128xf32, #tpu.memory_space<vmem>> -> memref<128x128xf32, #tpu.memory_space<vmem>>
        %dma_start3A_433 = arith.constant 0 : i32
        %dma_start3A_434 = tpu.memref_slice %arg5[%add3A_390, %dma_start3A_433] : memref<200x128xi32, #tpu.memory_space<vmem>> -> memref<1x128xi32, #tpu.memory_space<vmem>>
        %dma_start3A_435 = tpu.memref_squeeze %dma_start3A_434 : memref<1x128xi32, #tpu.memory_space<vmem>> -> memref<128xi32, #tpu.memory_space<vmem>>
        %dma_start3A_436 = arith.constant 0 : i32
        %dma_start3A_437 = arith.constant 0 : i32
        %dma_start3A_438 = tpu.memref_slice %arg3[%dma_start3A_436, %dma_start3A_437] : memref<100000x128xf32, #tpu.memory_space<hbm>> -> memref<100000x128xf32, #tpu.memory_space<hbm>>
        tpu.enqueue_indirect_dma source(%dma_start3A_438 : memref<100000x128xf32, #tpu.memory_space<hbm>>) target(%dma_start3A_432 : memref<128x128xf32, #tpu.memory_space<vmem>>) offsets(%dma_start3A_435 : memref<128xi32, #tpu.memory_space<vmem>>) semaphore(%arg10 : memref<!tpu.dma_semaphore, #tpu.memory_space<semaphore_mem>>)
      } else {
      }
      %dma_wait3A_396 = arith.constant 0 : i32
      %dma_wait3A_397 = arith.constant 5 : i32
      %dma_wait3A_398 = arith.constant 0 : i32
      %dma_wait3A_399 = arith.constant 0 : i32
      %dma_wait3A_400 = tpu.memref_slice %arg6[%dma_wait3A_397, %dma_wait3A_398, %dma_wait3A_399] : memref<6x128x128xf32, #tpu.memory_space<vmem>> -> memref<1x128x128xf32, #tpu.memory_space<vmem>>
      %dma_wait3A_401 = tpu.memref_squeeze %dma_wait3A_400 : memref<1x128x128xf32, #tpu.memory_space<vmem>> -> memref<128x128xf32, #tpu.memory_space<vmem>>
      %dma_wait3A_402 = arith.constant 0 : i32
      %dma_wait3A_403 = tpu.memref_slice %arg5[%dma_wait3A_396, %dma_wait3A_402] : memref<200x128xi32, #tpu.memory_space<vmem>> -> memref<1x128xi32, #tpu.memory_space<vmem>>
      %dma_wait3A_404 = tpu.memref_squeeze %dma_wait3A_403 : memref<1x128xi32, #tpu.memory_space<vmem>> -> memref<128xi32, #tpu.memory_space<vmem>>
      %dma_wait3A_405 = arith.constant 0 : i32
      %dma_wait3A_406 = arith.constant 0 : i32
      %dma_wait3A_407 = tpu.memref_slice %arg3[%dma_wait3A_405, %dma_wait3A_406] : memref<100000x128xf32, #tpu.memory_space<hbm>> -> memref<100000x128xf32, #tpu.memory_space<hbm>>
      tpu.wait_indirect_dma semaphore(%arg12 : memref<!tpu.dma_semaphore, #tpu.memory_space<semaphore_mem>>) src(%dma_wait3A_407 : memref<100000x128xf32, #tpu.memory_space<hbm>>) dst(%dma_wait3A_401 : memref<128x128xf32, #tpu.memory_space<vmem>>)
      %add3A_408 = arith.addi %mul3A_2, %add3A_388 : i32
      %mul3A_409 = arith.constant 128 : i32
      %mul3A_410 = arith.muli %add3A_408, %mul3A_409 : i32
      %dma_start3A_411 = arith.constant 5 : i32
      %dma_start3A_412 = arith.constant 0 : i32
      %dma_start3A_413 = arith.constant 0 : i32
      %dma_start3A_414 = tpu.memref_slice %arg6[%dma_start3A_411, %dma_start3A_412, %dma_start3A_413] : memref<6x128x128xf32, #tpu.memory_space<vmem>> -> memref<1x128x128xf32, #tpu.memory_space<vmem>>
      %dma_start3A_415 = tpu.memref_squeeze %dma_start3A_414 : memref<1x128x128xf32, #tpu.memory_space<vmem>> -> memref<128x128xf32, #tpu.memory_space<vmem>>
      %dma_start3A_416 = arith.constant 0 : i32
      %dma_start3A_417 = tpu.memref_slice %arg4[%mul3A_410, %dma_start3A_416] : memref<819200x128xf32, #tpu.memory_space<hbm>> -> memref<128x128xf32, #tpu.memory_space<hbm>>
      %dma_start3A_418 = arith.constant 0 : i32
      %dma_start3A_419 = tpu.memref_slice %arg4[%mul3A_410, %dma_start3A_418] : memref<819200x128xf32, #tpu.memory_space<hbm>> -> memref<128x128xf32, #tpu.memory_space<hbm>>
      %dma_start3A_420 = arith.constant 0 : i32
      %dma_start3A_421 = arith.constant 0 : i32
      %dma_start3A_422 = tpu.memref_slice %arg6[%dma_start3A_411, %dma_start3A_420, %dma_start3A_421] : memref<6x128x128xf32, #tpu.memory_space<vmem>> -> memref<1x128x128xf32, #tpu.memory_space<vmem>>
      %dma_start3A_423 = tpu.memref_squeeze %dma_start3A_422 : memref<1x128x128xf32, #tpu.memory_space<vmem>> -> memref<128x128xf32, #tpu.memory_space<vmem>>
      tpu.enqueue_dma source(%dma_start3A_423 : memref<128x128xf32, #tpu.memory_space<vmem>>) target(%dma_start3A_419 : memref<128x128xf32, #tpu.memory_space<hbm>>) target_semaphore(%arg18 : memref<!tpu.dma_semaphore, #tpu.memory_space<semaphore_mem>>)
    }
    %scan3A_54 = arith.constant 33 : i32
    %dma_wait3A = arith.constant 0 : i32
    %dma_wait3A_55 = arith.constant 0 : i32
    %dma_wait3A_56 = arith.constant 0 : i32
    %dma_wait3A_57 = arith.constant 0 : i32
    %dma_wait3A_58 = tpu.memref_slice %arg6[%dma_wait3A_55, %dma_wait3A_56, %dma_wait3A_57] : memref<6x128x128xf32, #tpu.memory_space<vmem>> -> memref<1x128x128xf32, #tpu.memory_space<vmem>>
    %dma_wait3A_59 = tpu.memref_squeeze %dma_wait3A_58 : memref<1x128x128xf32, #tpu.memory_space<vmem>> -> memref<128x128xf32, #tpu.memory_space<vmem>>
    %dma_wait3A_60 = arith.constant 0 : i32
    %dma_wait3A_61 = tpu.memref_slice %arg5[%dma_wait3A, %dma_wait3A_60] : memref<200x128xi32, #tpu.memory_space<vmem>> -> memref<1x128xi32, #tpu.memory_space<vmem>>
    %dma_wait3A_62 = tpu.memref_squeeze %dma_wait3A_61 : memref<1x128xi32, #tpu.memory_space<vmem>> -> memref<128xi32, #tpu.memory_space<vmem>>
    %dma_wait3A_63 = arith.constant 0 : i32
    %dma_wait3A_64 = arith.constant 0 : i32
    %dma_wait3A_65 = tpu.memref_slice %arg3[%dma_wait3A_63, %dma_wait3A_64] : memref<100000x128xf32, #tpu.memory_space<hbm>> -> memref<100000x128xf32, #tpu.memory_space<hbm>>
    tpu.wait_indirect_dma semaphore(%arg7 : memref<!tpu.dma_semaphore, #tpu.memory_space<semaphore_mem>>) src(%dma_wait3A_65 : memref<100000x128xf32, #tpu.memory_space<hbm>>) dst(%dma_wait3A_59 : memref<128x128xf32, #tpu.memory_space<vmem>>)
    %add3A_66 = arith.constant 198 : i32
    %add3A_67 = arith.addi %mul3A_2, %add3A_66 : i32
    %mul3A_68 = arith.constant 128 : i32
    %mul3A_69 = arith.muli %add3A_67, %mul3A_68 : i32
    %dma_start3A_70 = arith.constant 0 : i32
    %dma_start3A_71 = arith.constant 0 : i32
    %dma_start3A_72 = arith.constant 0 : i32
    %dma_start3A_73 = tpu.memref_slice %arg6[%dma_start3A_70, %dma_start3A_71, %dma_start3A_72] : memref<6x128x128xf32, #tpu.memory_space<vmem>> -> memref<1x128x128xf32, #tpu.memory_space<vmem>>
    %dma_start3A_74 = tpu.memref_squeeze %dma_start3A_73 : memref<1x128x128xf32, #tpu.memory_space<vmem>> -> memref<128x128xf32, #tpu.memory_space<vmem>>
    %dma_start3A_75 = arith.constant 0 : i32
    %dma_start3A_76 = tpu.memref_slice %arg4[%mul3A_69, %dma_start3A_75] : memref<819200x128xf32, #tpu.memory_space<hbm>> -> memref<128x128xf32, #tpu.memory_space<hbm>>
    %dma_start3A_77 = arith.constant 0 : i32
    %dma_start3A_78 = tpu.memref_slice %arg4[%mul3A_69, %dma_start3A_77] : memref<819200x128xf32, #tpu.memory_space<hbm>> -> memref<128x128xf32, #tpu.memory_space<hbm>>
    %dma_start3A_79 = arith.constant 0 : i32
    %dma_start3A_80 = arith.constant 0 : i32
    %dma_start3A_81 = tpu.memref_slice %arg6[%dma_start3A_70, %dma_start3A_79, %dma_start3A_80] : memref<6x128x128xf32, #tpu.memory_space<vmem>> -> memref<1x128x128xf32, #tpu.memory_space<vmem>>
    %dma_start3A_82 = tpu.memref_squeeze %dma_start3A_81 : memref<1x128x128xf32, #tpu.memory_space<vmem>> -> memref<128x128xf32, #tpu.memory_space<vmem>>
    tpu.enqueue_dma source(%dma_start3A_82 : memref<128x128xf32, #tpu.memory_space<vmem>>) target(%dma_start3A_78 : memref<128x128xf32, #tpu.memory_space<hbm>>) target_semaphore(%arg13 : memref<!tpu.dma_semaphore, #tpu.memory_space<semaphore_mem>>)
    %dma_wait3A_83 = arith.constant 0 : i32
    %dma_wait3A_84 = arith.constant 1 : i32
    %dma_wait3A_85 = arith.constant 0 : i32
    %dma_wait3A_86 = arith.constant 0 : i32
    %dma_wait3A_87 = tpu.memref_slice %arg6[%dma_wait3A_84, %dma_wait3A_85, %dma_wait3A_86] : memref<6x128x128xf32, #tpu.memory_space<vmem>> -> memref<1x128x128xf32, #tpu.memory_space<vmem>>
    %dma_wait3A_88 = tpu.memref_squeeze %dma_wait3A_87 : memref<1x128x128xf32, #tpu.memory_space<vmem>> -> memref<128x128xf32, #tpu.memory_space<vmem>>
    %dma_wait3A_89 = arith.constant 0 : i32
    %dma_wait3A_90 = tpu.memref_slice %arg5[%dma_wait3A_83, %dma_wait3A_89] : memref<200x128xi32, #tpu.memory_space<vmem>> -> memref<1x128xi32, #tpu.memory_space<vmem>>
    %dma_wait3A_91 = tpu.memref_squeeze %dma_wait3A_90 : memref<1x128xi32, #tpu.memory_space<vmem>> -> memref<128xi32, #tpu.memory_space<vmem>>
    %dma_wait3A_92 = arith.constant 0 : i32
    %dma_wait3A_93 = arith.constant 0 : i32
    %dma_wait3A_94 = tpu.memref_slice %arg3[%dma_wait3A_92, %dma_wait3A_93] : memref<100000x128xf32, #tpu.memory_space<hbm>> -> memref<100000x128xf32, #tpu.memory_space<hbm>>
    tpu.wait_indirect_dma semaphore(%arg8 : memref<!tpu.dma_semaphore, #tpu.memory_space<semaphore_mem>>) src(%dma_wait3A_94 : memref<100000x128xf32, #tpu.memory_space<hbm>>) dst(%dma_wait3A_88 : memref<128x128xf32, #tpu.memory_space<vmem>>)
    %add3A_95 = arith.constant 199 : i32
    %add3A_96 = arith.addi %mul3A_2, %add3A_95 : i32
    %mul3A_97 = arith.constant 128 : i32
    %mul3A_98 = arith.muli %add3A_96, %mul3A_97 : i32
    %dma_start3A_99 = arith.constant 1 : i32
    %dma_start3A_100 = arith.constant 0 : i32
    %dma_start3A_101 = arith.constant 0 : i32
    %dma_start3A_102 = tpu.memref_slice %arg6[%dma_start3A_99, %dma_start3A_100, %dma_start3A_101] : memref<6x128x128xf32, #tpu.memory_space<vmem>> -> memref<1x128x128xf32, #tpu.memory_space<vmem>>
    %dma_start3A_103 = tpu.memref_squeeze %dma_start3A_102 : memref<1x128x128xf32, #tpu.memory_space<vmem>> -> memref<128x128xf32, #tpu.memory_space<vmem>>
    %dma_start3A_104 = arith.constant 0 : i32
    %dma_start3A_105 = tpu.memref_slice %arg4[%mul3A_98, %dma_start3A_104] : memref<819200x128xf32, #tpu.memory_space<hbm>> -> memref<128x128xf32, #tpu.memory_space<hbm>>
    %dma_start3A_106 = arith.constant 0 : i32
    %dma_start3A_107 = tpu.memref_slice %arg4[%mul3A_98, %dma_start3A_106] : memref<819200x128xf32, #tpu.memory_space<hbm>> -> memref<128x128xf32, #tpu.memory_space<hbm>>
    %dma_start3A_108 = arith.constant 0 : i32
    %dma_start3A_109 = arith.constant 0 : i32
    %dma_start3A_110 = tpu.memref_slice %arg6[%dma_start3A_99, %dma_start3A_108, %dma_start3A_109] : memref<6x128x128xf32, #tpu.memory_space<vmem>> -> memref<1x128x128xf32, #tpu.memory_space<vmem>>
    %dma_start3A_111 = tpu.memref_squeeze %dma_start3A_110 : memref<1x128x128xf32, #tpu.memory_space<vmem>> -> memref<128x128xf32, #tpu.memory_space<vmem>>
    tpu.enqueue_dma source(%dma_start3A_111 : memref<128x128xf32, #tpu.memory_space<vmem>>) target(%dma_start3A_107 : memref<128x128xf32, #tpu.memory_space<hbm>>) target_semaphore(%arg14 : memref<!tpu.dma_semaphore, #tpu.memory_space<semaphore_mem>>)
    %dma_wait3A_112 = arith.constant 0 : i32
    %dma_wait3A_113 = arith.constant 0 : i32
    %dma_wait3A_114 = arith.constant 0 : i32
    %dma_wait3A_115 = tpu.memref_slice %arg6[%dma_wait3A_112, %dma_wait3A_113, %dma_wait3A_114] : memref<6x128x128xf32, #tpu.memory_space<vmem>> -> memref<1x128x128xf32, #tpu.memory_space<vmem>>
    %dma_wait3A_116 = tpu.memref_squeeze %dma_wait3A_115 : memref<1x128x128xf32, #tpu.memory_space<vmem>> -> memref<128x128xf32, #tpu.memory_space<vmem>>
    %dma_wait3A_117 = arith.constant 0 : i32
    %dma_wait3A_118 = arith.constant 0 : i32
    %dma_wait3A_119 = tpu.memref_slice %arg4[%dma_wait3A_117, %dma_wait3A_118] : memref<819200x128xf32, #tpu.memory_space<hbm>> -> memref<128x128xf32, #tpu.memory_space<hbm>>
    %dma_wait3A_120 = arith.constant 0 : i32
    %dma_wait3A_121 = arith.constant 0 : i32
    %dma_wait3A_122 = tpu.memref_slice %arg4[%dma_wait3A_120, %dma_wait3A_121] : memref<819200x128xf32, #tpu.memory_space<hbm>> -> memref<128x128xf32, #tpu.memory_space<hbm>>
    %dma_wait3A_123 = arith.constant 0 : i32
    %dma_wait3A_124 = arith.constant 0 : i32
    %dma_wait3A_125 = tpu.memref_slice %arg6[%dma_wait3A_112, %dma_wait3A_123, %dma_wait3A_124] : memref<6x128x128xf32, #tpu.memory_space<vmem>> -> memref<1x128x128xf32, #tpu.memory_space<vmem>>
    %dma_wait3A_126 = tpu.memref_squeeze %dma_wait3A_125 : memref<1x128x128xf32, #tpu.memory_space<vmem>> -> memref<128x128xf32, #tpu.memory_space<vmem>>
    tpu.wait_dma2 semaphore(%arg13 : memref<!tpu.dma_semaphore, #tpu.memory_space<semaphore_mem>>) src(%dma_wait3A_126 : memref<128x128xf32, #tpu.memory_space<vmem>>) dst(%dma_wait3A_122 : memref<128x128xf32, #tpu.memory_space<hbm>>)
    %dma_wait3A_127 = arith.constant 1 : i32
    %dma_wait3A_128 = arith.constant 0 : i32
    %dma_wait3A_129 = arith.constant 0 : i32
    %dma_wait3A_130 = tpu.memref_slice %arg6[%dma_wait3A_127, %dma_wait3A_128, %dma_wait3A_129] : memref<6x128x128xf32, #tpu.memory_space<vmem>> -> memref<1x128x128xf32, #tpu.memory_space<vmem>>
    %dma_wait3A_131 = tpu.memref_squeeze %dma_wait3A_130 : memref<1x128x128xf32, #tpu.memory_space<vmem>> -> memref<128x128xf32, #tpu.memory_space<vmem>>
    %dma_wait3A_132 = arith.constant 0 : i32
    %dma_wait3A_133 = arith.constant 0 : i32
    %dma_wait3A_134 = tpu.memref_slice %arg4[%dma_wait3A_132, %dma_wait3A_133] : memref<819200x128xf32, #tpu.memory_space<hbm>> -> memref<128x128xf32, #tpu.memory_space<hbm>>
    %dma_wait3A_135 = arith.constant 0 : i32
    %dma_wait3A_136 = arith.constant 0 : i32
    %dma_wait3A_137 = tpu.memref_slice %arg4[%dma_wait3A_135, %dma_wait3A_136] : memref<819200x128xf32, #tpu.memory_space<hbm>> -> memref<128x128xf32, #tpu.memory_space<hbm>>
    %dma_wait3A_138 = arith.constant 0 : i32
    %dma_wait3A_139 = arith.constant 0 : i32
    %dma_wait3A_140 = tpu.memref_slice %arg6[%dma_wait3A_127, %dma_wait3A_138, %dma_wait3A_139] : memref<6x128x128xf32, #tpu.memory_space<vmem>> -> memref<1x128x128xf32, #tpu.memory_space<vmem>>
    %dma_wait3A_141 = tpu.memref_squeeze %dma_wait3A_140 : memref<1x128x128xf32, #tpu.memory_space<vmem>> -> memref<128x128xf32, #tpu.memory_space<vmem>>
    tpu.wait_dma2 semaphore(%arg14 : memref<!tpu.dma_semaphore, #tpu.memory_space<semaphore_mem>>) src(%dma_wait3A_141 : memref<128x128xf32, #tpu.memory_space<vmem>>) dst(%dma_wait3A_137 : memref<128x128xf32, #tpu.memory_space<hbm>>)
    %dma_wait3A_142 = arith.constant 2 : i32
    %dma_wait3A_143 = arith.constant 0 : i32
    %dma_wait3A_144 = arith.constant 0 : i32
    %dma_wait3A_145 = tpu.memref_slice %arg6[%dma_wait3A_142, %dma_wait3A_143, %dma_wait3A_144] : memref<6x128x128xf32, #tpu.memory_space<vmem>> -> memref<1x128x128xf32, #tpu.memory_space<vmem>>
    %dma_wait3A_146 = tpu.memref_squeeze %dma_wait3A_145 : memref<1x128x128xf32, #tpu.memory_space<vmem>> -> memref<128x128xf32, #tpu.memory_space<vmem>>
    %dma_wait3A_147 = arith.constant 0 : i32
    %dma_wait3A_148 = arith.constant 0 : i32
    %dma_wait3A_149 = tpu.memref_slice %arg4[%dma_wait3A_147, %dma_wait3A_148] : memref<819200x128xf32, #tpu.memory_space<hbm>> -> memref<128x128xf32, #tpu.memory_space<hbm>>
    %dma_wait3A_150 = arith.constant 0 : i32
    %dma_wait3A_151 = arith.constant 0 : i32
    %dma_wait3A_152 = tpu.memref_slice %arg4[%dma_wait3A_150, %dma_wait3A_151] : memref<819200x128xf32, #tpu.memory_space<hbm>> -> memref<128x128xf32, #tpu.memory_space<hbm>>
    %dma_wait3A_153 = arith.constant 0 : i32
    %dma_wait3A_154 = arith.constant 0 : i32
    %dma_wait3A_155 = tpu.memref_slice %arg6[%dma_wait3A_142, %dma_wait3A_153, %dma_wait3A_154] : memref<6x128x128xf32, #tpu.memory_space<vmem>> -> memref<1x128x128xf32, #tpu.memory_space<vmem>>
    %dma_wait3A_156 = tpu.memref_squeeze %dma_wait3A_155 : memref<1x128x128xf32, #tpu.memory_space<vmem>> -> memref<128x128xf32, #tpu.memory_space<vmem>>
    tpu.wait_dma2 semaphore(%arg15 : memref<!tpu.dma_semaphore, #tpu.memory_space<semaphore_mem>>) src(%dma_wait3A_156 : memref<128x128xf32, #tpu.memory_space<vmem>>) dst(%dma_wait3A_152 : memref<128x128xf32, #tpu.memory_space<hbm>>)
    %dma_wait3A_157 = arith.constant 3 : i32
    %dma_wait3A_158 = arith.constant 0 : i32
    %dma_wait3A_159 = arith.constant 0 : i32
    %dma_wait3A_160 = tpu.memref_slice %arg6[%dma_wait3A_157, %dma_wait3A_158, %dma_wait3A_159] : memref<6x128x128xf32, #tpu.memory_space<vmem>> -> memref<1x128x128xf32, #tpu.memory_space<vmem>>
    %dma_wait3A_161 = tpu.memref_squeeze %dma_wait3A_160 : memref<1x128x128xf32, #tpu.memory_space<vmem>> -> memref<128x128xf32, #tpu.memory_space<vmem>>
    %dma_wait3A_162 = arith.constant 0 : i32
    %dma_wait3A_163 = arith.constant 0 : i32
    %dma_wait3A_164 = tpu.memref_slice %arg4[%dma_wait3A_162, %dma_wait3A_163] : memref<819200x128xf32, #tpu.memory_space<hbm>> -> memref<128x128xf32, #tpu.memory_space<hbm>>
    %dma_wait3A_165 = arith.constant 0 : i32
    %dma_wait3A_166 = arith.constant 0 : i32
    %dma_wait3A_167 = tpu.memref_slice %arg4[%dma_wait3A_165, %dma_wait3A_166] : memref<819200x128xf32, #tpu.memory_space<hbm>> -> memref<128x128xf32, #tpu.memory_space<hbm>>
    %dma_wait3A_168 = arith.constant 0 : i32
    %dma_wait3A_169 = arith.constant 0 : i32
    %dma_wait3A_170 = tpu.memref_slice %arg6[%dma_wait3A_157, %dma_wait3A_168, %dma_wait3A_169] : memref<6x128x128xf32, #tpu.memory_space<vmem>> -> memref<1x128x128xf32, #tpu.memory_space<vmem>>
    %dma_wait3A_171 = tpu.memref_squeeze %dma_wait3A_170 : memref<1x128x128xf32, #tpu.memory_space<vmem>> -> memref<128x128xf32, #tpu.memory_space<vmem>>
    tpu.wait_dma2 semaphore(%arg16 : memref<!tpu.dma_semaphore, #tpu.memory_space<semaphore_mem>>) src(%dma_wait3A_171 : memref<128x128xf32, #tpu.memory_space<vmem>>) dst(%dma_wait3A_167 : memref<128x128xf32, #tpu.memory_space<hbm>>)
    %dma_wait3A_172 = arith.constant 4 : i32
    %dma_wait3A_173 = arith.constant 0 : i32
    %dma_wait3A_174 = arith.constant 0 : i32
    %dma_wait3A_175 = tpu.memref_slice %arg6[%dma_wait3A_172, %dma_wait3A_173, %dma_wait3A_174] : memref<6x128x128xf32, #tpu.memory_space<vmem>> -> memref<1x128x128xf32, #tpu.memory_space<vmem>>
    %dma_wait3A_176 = tpu.memref_squeeze %dma_wait3A_175 : memref<1x128x128xf32, #tpu.memory_space<vmem>> -> memref<128x128xf32, #tpu.memory_space<vmem>>
    %dma_wait3A_177 = arith.constant 0 : i32
    %dma_wait3A_178 = arith.constant 0 : i32
    %dma_wait3A_179 = tpu.memref_slice %arg4[%dma_wait3A_177, %dma_wait3A_178] : memref<819200x128xf32, #tpu.memory_space<hbm>> -> memref<128x128xf32, #tpu.memory_space<hbm>>
    %dma_wait3A_180 = arith.constant 0 : i32
    %dma_wait3A_181 = arith.constant 0 : i32
    %dma_wait3A_182 = tpu.memref_slice %arg4[%dma_wait3A_180, %dma_wait3A_181] : memref<819200x128xf32, #tpu.memory_space<hbm>> -> memref<128x128xf32, #tpu.memory_space<hbm>>
    %dma_wait3A_183 = arith.constant 0 : i32
    %dma_wait3A_184 = arith.constant 0 : i32
    %dma_wait3A_185 = tpu.memref_slice %arg6[%dma_wait3A_172, %dma_wait3A_183, %dma_wait3A_184] : memref<6x128x128xf32, #tpu.memory_space<vmem>> -> memref<1x128x128xf32, #tpu.memory_space<vmem>>
    %dma_wait3A_186 = tpu.memref_squeeze %dma_wait3A_185 : memref<1x128x128xf32, #tpu.memory_space<vmem>> -> memref<128x128xf32, #tpu.memory_space<vmem>>
    tpu.wait_dma2 semaphore(%arg17 : memref<!tpu.dma_semaphore, #tpu.memory_space<semaphore_mem>>) src(%dma_wait3A_186 : memref<128x128xf32, #tpu.memory_space<vmem>>) dst(%dma_wait3A_182 : memref<128x128xf32, #tpu.memory_space<hbm>>)
    %dma_wait3A_187 = arith.constant 5 : i32
    %dma_wait3A_188 = arith.constant 0 : i32
    %dma_wait3A_189 = arith.constant 0 : i32
    %dma_wait3A_190 = tpu.memref_slice %arg6[%dma_wait3A_187, %dma_wait3A_188, %dma_wait3A_189] : memref<6x128x128xf32, #tpu.memory_space<vmem>> -> memref<1x128x128xf32, #tpu.memory_space<vmem>>
    %dma_wait3A_191 = tpu.memref_squeeze %dma_wait3A_190 : memref<1x128x128xf32, #tpu.memory_space<vmem>> -> memref<128x128xf32, #tpu.memory_space<vmem>>
    %dma_wait3A_192 = arith.constant 0 : i32
    %dma_wait3A_193 = arith.constant 0 : i32
    %dma_wait3A_194 = tpu.memref_slice %arg4[%dma_wait3A_192, %dma_wait3A_193] : memref<819200x128xf32, #tpu.memory_space<hbm>> -> memref<128x128xf32, #tpu.memory_space<hbm>>
    %dma_wait3A_195 = arith.constant 0 : i32
    %dma_wait3A_196 = arith.constant 0 : i32
    %dma_wait3A_197 = tpu.memref_slice %arg4[%dma_wait3A_195, %dma_wait3A_196] : memref<819200x128xf32, #tpu.memory_space<hbm>> -> memref<128x128xf32, #tpu.memory_space<hbm>>
    %dma_wait3A_198 = arith.constant 0 : i32
    %dma_wait3A_199 = arith.constant 0 : i32
    %dma_wait3A_200 = tpu.memref_slice %arg6[%dma_wait3A_187, %dma_wait3A_198, %dma_wait3A_199] : memref<6x128x128xf32, #tpu.memory_space<vmem>> -> memref<1x128x128xf32, #tpu.memory_space<vmem>>
    %dma_wait3A_201 = tpu.memref_squeeze %dma_wait3A_200 : memref<1x128x128xf32, #tpu.memory_space<vmem>> -> memref<128x128xf32, #tpu.memory_space<vmem>>
    tpu.wait_dma2 semaphore(%arg18 : memref<!tpu.dma_semaphore, #tpu.memory_space<semaphore_mem>>) src(%dma_wait3A_201 : memref<128x128xf32, #tpu.memory_space<vmem>>) dst(%dma_wait3A_197 : memref<128x128xf32, #tpu.memory_space<hbm>>)
    return
  }
}

</mosaic_0001>

<sc_bundles>
// kernel: kernel.3.cloned.1.call-start
scs
__scs_entry_jumppad:
0x0: {  	(pc) =	sbr.rel $0x88, $3  }
0x1: {  	(tag) =	ssettag $0x0;
	lr =	simm.s32 $0x1  }
0x2: {  	[smem:$0x3F9F] =	sst lr;
	_ =	strace $0xD0000000  }
0x3: {  	_ = 	snop  }
0x4: {  	_ = 	snop  }
0x5: {  	_ = 	snop  }
0x6: {  	_ = 	snop  }
0x7: {  	_ = 	snop  }
__scs_overlays_trampoline_lowered:
0x8: {  	[smem:$0x3FAE] =	sst s0  }
0x9: {  	[smem:$0x3FAF] =	sst s1  }
0xa: {  	[smem:$0x3FB0] =	sst s2  }
0xb: {  	[smem:$0x3FB1] =	sst s3  }
0xc: {  	[smem:$0x3FB2] =	sst s4  }
0xd: {  	[smem:$0x3FB3] =	sst s5  }
0xe: {  	[smem:$0x3FB4] =	sst s6  }
0xf: {  	[smem:$0x3FB5] =	sst s7  }
0x10: {  	[smem:$0x3FB6] =	sst s8  }
0x11: {  	[smem:$0x3FB7] =	sst s9;
	s0 =	simm.s32 @!p0 $0x0  }
0x12: {  	s1 =	sld [smem:$0x3F9D];
	s0 =	simm.s32 @p0 $0x1  }
0x13: {  	[smem:$0x3FB8] =	sst s0;
	s0 =	simm.s32 @!p1 $0x0  }
0x14: {  	s2 =	sld [smem:$0x3F9C];
	s0 =	simm.s32 @p1 $0x1  }
0x15: {  	[smem:$0x3FB9] =	sst s0;
	s0 =	simm.s32 @!p2 $0x0  }
0x16: {  	s3 =	sld [smem:$0x3FDB];
	s0 =	simm.s32 @p2 $0x1  }
0x17: {  	s4 =	simm.s32 $0x1BF5;
	[smem:$0x3FBB] =	sst s0  }
0x18: {  	s0 =	sld [smem:$0x3F9E];
	_ =	swait.ge [sflag:s4], $0x0  }
0x19: {  	s7 =	sld [smem:$0x3F9F]  }
0x1a: {  	s8 =	sadd.s32 $0xFFFFE003, lr  }
0x1b: {  	s9 =	sadd.s32 $0xFFFFFEF7, lr;
	s5 =	simm.s32 $0xFFFFFFFF;
	p2 =	slt.u32 s8, $0xFFFFF086  }
0x1c: {  	p1 =	slt.u32 s9, $0xF7A;
	s5 =	simm.s32 @!p2 $0x0  }
0x1d: {  	s5 =	simm.s32 @p1 $0x1;
	p0 =	seq.s32 s7, s2  }
0x1e: {  	s7 =	smul.u32 @!p0 $0xF7A, s2;
	p2 =	seq.s32 @!p0 s5, $0x0  }
0x1f: {  	s9 =	smul.u32 $0xF7A, s1;
	s8 =	simm.s32 @!p0 $0x1BF5;
	p2 =	por !p2, p0  }
0x20: {  	[sflag:s8] =	ssyncset.s32 @!p0 $0xFFFFF086;
	s6 =	sadd.s32 @!p0 s3, s7;
	s7 =	simm.s32 @!p0 $0x108  }
0x21: {  	s3 =	sadd.s32 s3, s9;
	s6 =	sadd.s32 @!p0 $0x88, s6;
	s7 =	simm.s32 @p2 $0x1082  }
0x22: {  	[simem:s7], [sflag:s8] =	dma.local @!p0 [hbm:s6], $0xF7A  }
0x23: {  	s9 =	sor.u32 $0xD0000000, s2;
	s6 =	simm.s32 $0x108;
	_ =	swait.ge @!p0 [sflag:s8], $0x0  }
0x24: {  	s3 =	sadd.s32 $0x88, s3;
	s6 =	simm.s32 @!p1 $0x1082;
	[sflag:s4] =	ssyncset.s32 $0xFFFFF086  }
0x25: {  	[simem:s6], [sflag:s4] =	dma.local [hbm:s3], $0xF7A  }
0x26: {  	[smem:$0x3F9F] =	sst s1;
	(tag) =	ssettag s2;
	_ =	strace s9  }
0x27: {  	s1 =	sld [smem:$0x3FAF]  }
0x28: {  	s2 =	sld [smem:$0x3FB0]  }
0x29: {  	s4 =	sld [smem:$0x3FB2]  }
0x2a: {  	p0 =	seq.s32 s5, $0x0;
	s5 =	sld [smem:$0x3FB3]  }
0x2b: {  	s6 =	sld [smem:$0x3FB4]  }
0x2c: {  	s7 =	sld [smem:$0x3FB5]  }
0x2d: {  	s3 =	simm.s32 $0x108;
	s8 =	sld [smem:$0x3FB6]  }
0x2e: {  	s3 =	simm.s32 @!p0 $0x1082;
	s9 =	sld [smem:$0x3FB7]  }
0x2f: {  	lr =	sadd.s32 s0, s3;
	s0 =	sld [smem:$0x3FAE]  }
0x30: {  	s3 =	sld [smem:$0x3FB1]  }
0x31: {  	[smem:$0x3FBA] =	sst s10  }
0x32: {  	s10 =	sld [smem:$0x3FB8];
	_ =	sdelay $0x3  }
0x33: {  	p0 =	seq.s32 s10, $0x1;
	s10 =	sld [smem:$0x3FBA];
	_ =	sdelay $0x3  }
0x34: {  	[smem:$0x3FBA] =	sst s10  }
0x35: {  	s10 =	sld [smem:$0x3FB9];
	_ =	sdelay $0x3  }
0x36: {  	p1 =	seq.s32 s10, $0x1;
	s10 =	sld [smem:$0x3FBA];
	_ =	sdelay $0x3  }
0x37: {  	[smem:$0x3FBA] =	sst s10  }
0x38: {  	s10 =	sld [smem:$0x3FBB]  }
0x39: {  	_ = 	snop;
	(pc) =	sbr.ind lr, $3  }
0x3a: {  	_ = 	snop  }
0x3b: {  	_ = 	snop  }
0x3c: {  	p2 =	seq.s32 s10, $0x1;
	s10 =	sld [smem:$0x3FBA]  }
0x3d: {  	_ =	shalt  }
0x3e: {  	_ =	shalt  }
0x3f: {  	_ =	shalt  }
0x40: {  	_ =	shalt  }
0x41: {  	_ =	shalt  }
0x42: {  	_ =	shalt  }
0x43: {  	_ =	shalt  }
0x44: {  	_ =	shalt  }
0x45: {  	_ =	shalt  }
0x46: {  	_ =	shalt  }
0x47: {  	_ =	shalt  }
0x48: {  	_ =	shalt  }
0x49: {  	_ =	shalt  }
0x4a: {  	_ =	shalt  }
0x4b: {  	_ =	shalt  }
0x4c: {  	_ =	shalt  }
0x4d: {  	_ =	shalt  }
0x4e: {  	_ =	shalt  }
0x4f: {  	_ =	shalt  }
0x50: {  	_ =	shalt  }
0x51: {  	_ =	shalt  }
0x52: {  	_ =	shalt  }
0x53: {  	_ =	shalt  }
0x54: {  	_ =	shalt  }
0x55: {  	_ =	shalt  }
0x56: {  	_ =	shalt  }
0x57: {  	_ =	shalt  }
0x58: {  	_ =	shalt  }
0x59: {  	_ =	shalt  }
0x5a: {  	_ =	shalt  }
0x5b: {  	_ =	shalt  }
0x5c: {  	_ =	shalt  }
0x5d: {  	_ =	shalt  }
0x5e: {  	_ =	shalt  }
0x5f: {  	_ =	shalt  }
0x60: {  	_ =	shalt  }
0x61: {  	_ =	shalt  }
0x62: {  	_ =	shalt  }
0x63: {  	_ =	shalt  }
0x64: {  	_ =	shalt  }
0x65: {  	_ =	shalt  }
0x66: {  	_ =	shalt  }
0x67: {  	_ =	shalt  }
0x68: {  	_ =	shalt  }
0x69: {  	_ =	shalt  }
0x6a: {  	_ =	shalt  }
0x6b: {  	_ =	shalt  }
0x6c: {  	_ =	shalt  }
0x6d: {  	_ =	shalt  }
0x6e: {  	_ =	shalt  }
0x6f: {  	_ =	shalt  }
0x70: {  	_ =	shalt  }
0x71: {  	_ =	shalt  }
0x72: {  	_ =	shalt  }
0x73: {  	_ =	shalt  }
0x74: {  	_ =	shalt  }
0x75: {  	_ =	shalt  }
0x76: {  	_ =	shalt  }
0x77: {  	_ =	shalt  }
0x78: {  	_ =	shalt  }
0x79: {  	_ =	shalt  }
0x7a: {  	_ =	shalt  }
0x7b: {  	_ =	shalt  }
0x7c: {  	_ =	shalt  }
0x7d: {  	_ =	shalt  }
0x7e: {  	_ =	shalt  }
0x7f: {  	_ =	shalt  }
0x80: {  	_ =	shalt  }
0x81: {  	_ =	shalt  }
0x82: {  	_ =	shalt  }
0x83: {  	_ =	shalt  }
0x84: {  	_ =	shalt  }
0x85: {  	_ =	shalt  }
0x86: {  	_ =	shalt  }
0x87: {  	_ =	shalt  }
.Lfunc_end0:
.L_simem_size_0:
called_computation_lowered:
.L_overlay_start_0:
0x88: {  	s2 =	sld [smem:$0x3FD9]  }
0x89: {  	s3 =	sld [smem:$0x3FFE];
	_ =	sdelay $0x1  }
0x8a: {  	s1 =	srdreg.scid  }
0x8b: {  	s0 =	sand.u32 $0x1, s1  }
0x8c: {  	s17 =	sshll.u32 s0, $0xA;
	s2 =	sadd.s32 s3, s2  }
0x8d: {  	s2 =	sadd.s32 s2, s17  }
0x8e: {  	[smem:$0x3FC6] =	sst s2  }
0x8f: {  	_ = 	snop  }
0x90: {  	s2 =	sld [smem:$0x3FC8]  }
0x91: {  	s18 =	sld [smem:$0x3FD0];
	(tm) =	ssettm $0x1  }
0x92: {  	s4 =	sld [smem:$0x3FFB];
	_ =	sdelay $0x3  }
0x93: {  	_ =	strace s4  }
0x94: {  	s4 =	sld [smem:$0x3FFC];
	_ =	sdelay $0x3  }
0x95: {  	_ =	strace s4  }
0x96: {  	s4 =	sld [smem:$0x3FFD];
	_ =	sdelay $0x3  }
0x97: {  	_ =	strace s4  }
0x98: {  	_ =	strace $0x8FFFFFFF  }
0x99: {  	s19 =	sld [smem:$0x3FDB];
	_ =	sdelay $0x1  }
0x9a: {  	s5 =	simm.s32 $_scs_section_size  }
0x9b: {  	s6 =	simm.s32 $_size__tile_overlayer_lowered;
	s7 =	simm.s32 $_tile_overlayer_lowered  }
0x9c: {  	s22 =	simm.s32 $0x1BFF;
	s21 =	sshll.u32 s7, $0x1;
	s4 =	sadd.s32 s5, s19  }
0x9d: {  	s8 =	simm.s32 $0x0;
	s20 =	sshll.u32 s6, $0x1;
	s6 =	sadd.s32 s21, s4  }
0x9e: {  	[timem:s8], [sflag:s22] =	dma.local [hbm:s6], s20  }
0x9f: {  	_ =	swait.ge [sflag:s22], s20  }
0xa0: {  	s5 =	ssub.s32 $0x0, s20;
	[sflag:s22] =	ssyncset.done $0x0  }
0xa1: {  	[sflag:s22] =	ssyncadd.s32 s5;
	_ =	sdelay $0x1  }
0xa2: {  	s23 =	simm.s32 $0x1B8B  }
0xa3: {  	_ =	swait.ge [sflag:s23], $0x1  }
0xa4: {  	[sflag:s23] =	ssyncset.done $0x0  }
0xa5: {  	s25 =	simm.s32 $0x1B8E;
	s24 =	sld [smem:$0x3FFE];
	[sflag:s23] =	ssyncadd.s32 $0xFFFFFFFF  }
0xa6: {  	s26 =	simm.s32 $execute0_lowered;
	[smem:$0x3FD2] =	sst s25  }
0xa7: {  	s6 =	sshll.u32 s26, $0x1;
	_ =	strace $0x80000046;
	[dreg:$0x1] =	wrdreg $0xFFFFFFFF  }
0xa8: {  	s28 =	simm.s32 $_size_execute0_lowered;
	s4 =	sadd.s32 s4, s6;
	[dreg:$0x0] =	wrdreg $0x0  }
0xa9: {  	s6 =	sshll.u32 s28, $0x1;
	[dreg:$0x2] =	wrdreg s4  }
0xaa: {  	[dreg:$0x3] =	wrdreg s6  }
0xab: {  	[dreg:$0x4] =	wrdreg $0xC0  }
0xac: {  	_ =	task [dreg:s8], $0x5FFFF  }
0xad: {  	[dreg:$0x1] =	wrdreg $0xFFFFFFFF  }
0xae: {  	[dreg:$0x0] =	wrdreg $0x60  }
0xaf: {  	[dreg:$0x2] =	wrdreg s24  }
0xb0: {  	[dreg:$0x3] =	wrdreg s2  }
0xb1: {  	[dreg:$0x4] =	wrdreg s18  }
0xb2: {  	[dreg:$0x5] =	wrdreg $0x9  }
0xb3: {  	_ =	task.clear_ibuf [dreg:s8], $0x6FFFF;
	_ =	strace $0x90000046  }
0xb4: {  	s29 =	simm.s32 $0x9;
	_ =	strace $0x80000048  }
0xb5: {  	_ =	swait.ge [sflag:s29], $0x1  }
0xb6: {  	[sflag:s29] =	ssyncadd.s32 $0xFFFFFFFF  }
0xb7: {  	_ =	strace $0x90000048  }
0xb8: {  	_ =	sfence  }
0xb9: {  	s30 =	sld [smem:$0x0];
	_ =	sdelay $0x2  }
0xba: {  	s31 =	sshll.u32 s1, $0xD;
	s1 =	sshrl.u32 s1, $0x2  }
0xbb: {  	s3 =	sand.u32 $0x4000, s31;
	s1 =	sadd.s32 s1, s30  }
0xbc: {  	s0 =	sor.u32 s3, s0;
	s1 =	sshll.u32 s1, $0x11  }
0xbd: {  	s0 =	sor.u32 s1, s0  }
0xbe: {  	s0 =	sadd.s32 $0x8F2B, s0  }
0xbf: {  	[sflag:s0] =	ssyncadd.remote.s32 $0x1  }
0xc0: {  	_ =	sfence.sel $0xFFFF  }
0xc1: {  	[dreg:$0x0] =	wrdreg $0xFFFFFFFF;
	(pc) =	sbr.abs _section_cstart, $3  }
0xc2: {  	[dreg:$0x1] =	wrdreg $0xFFFFFFFF  }
0xc3: {  	_ =	task.clear_ibuf [dreg:s8], $0x2FFFF;
	_ =	strace $0x9FFFFFFF  }
0xc4: {  	(tm) =	ssettm $0x7FFFFFFF  }
0xc5: {  	_ =	shalt  }
tec
execute0_lowered:
.L_overlay_start_1:
0x0: {  	(tag) =	ssettag $0x1  }
0x1: {  	s0 =	rddreg [dreg:$0x0]  }
0x2: {  	s1 =	srdreg.scid;
	s2 =	rddreg [dreg:$0x1]  }
0x3: {  	s10 =	stileid.u32;
	s4 =	rddreg [dreg:$0x2];
	s11 =	simm.s32 $0x6400  }
0x4: {  	s12 =	simm.s32 $0xA400;
	s14 =	simm.s32 $0xE400;
	s16 =	simm.s32 $0x12400  }
0x5: {  	s17 =	simm.s32 $0x16400;
	s29 =	simm.s32 $0xA;
	s7 =	smul.u32 $0x190, s10  }
0x6: {  	s30 =	simm.s32 $0xB;
	s1 =	sand.u32 $0x1, s1;
	s20 =	smul.u32 $0xC8000, s10  }
0x7: {  	s31 =	simm.s32 $0xC;
	s3 =	sshll.u32 s10, $0x1;
	s9 =	smul.u32 $0xC8, s1  }
0x8: {  	s10 =	simm.s32 $0x80;
	s5 =	sor.u32 s1, s3;
	s22 =	smul.u32 $0x64000, s1  }
0x9: {  	s3 =	simm.s32 $0x0;
	s8 =	ssub.s32 $0x2, s1;
	s6 =	smul.u32 $0xC80, s5  }
0xa: {  	s1 =	simm.s32 $0x0;
	[smem:$0x7FF] =	sst s3;
	s5 =	smul.u32 $0x320000, s5  }
0xb: {  	s18 =	sshrl.u32 s8, $0x1;
	_ =	strace $0x80000047;
	s19 =	sadd.s32 s9, s7  }
0xc: {  	s0 =	sadd.s32 s6, s0;
	s6 =	ssub.s32 s8, s18;
	s5 =	sshrl.u32 s5, $0x3  }
0xd: {  	s18 =	simm.s32 $0x1;
	s0 =	sadd.s32 $0x400, s0;
	s21 =	sadd.s32 s4, s5  }
0xe: {  	s26 =	smax.u32 s6, $0x1;
	[dreg:$0x7] =	wrdreg s0;
	s0 =	sshll.u32 s19, $0xB  }
0xf: {  	s23 =	sadd.s32 $0x63000, s21;
	s25 =	sadd.s32 $0x63800, s21;
	[dreg:$0xa] =	wrdreg s26  }
0x10: {  	s19 =	simm.s32 $0x1A400;
	s21 =	simm.s32 $0x7;
	s26 =	simm.s32 $0x6  }
0x11: {  	s5 =	sadd.s32 s0, s4;
	[dreg:$0x8] =	wrdreg s23;
	s4 =	sadd.s32 s20, s4  }
0x12: {  	[dreg:$0x9] =	wrdreg s25;
	s20 =	simm.s32 $0x2;
	s24 =	sadd.s32 $0x1000, s5  }
0x13: {  	s23 =	simm.s32 $0x8;
	s0 =	sadd.s32 s22, s4;
	[dreg:$0x4] =	wrdreg s24  }
0x14: {  	s25 =	simm.s32 $0x5;
	s28 =	sadd.s32 $0x2000, s5;
	[dreg:$0x5] =	wrdreg s0  }
0x15: {  	s22 =	simm.s32 $0x3;
	[dreg:$0x6] =	wrdreg s28;
	s24 =	simm.s32 $0x4  }
.LBB2_1:
0x16: {  	s0 =	rddreg [dreg:$0x7];
	s9 =	simm.s32 $0xD  }
0x17: {  	[tilespmem:s3], [sflag:$0xD] =	stream.linear.gather [hbm4b:s0+s3], $0x6400, $0x38;
	[tilespmem:$0x1E400] =	vst v63  }
0x18: {  	_ =	swait.ge [sflag:s9], $0x6400  }
0x19: {  	[sflag:s9] =	ssyncset.done $0x0  }
0x1a: {  	[sflag:s9] =	ssyncadd.s32 $0xFFFF9C00  }
0x1b: {  	[tilespmem:s11], [sflag:$0x1] =	stream.indirect.gather [hbm4b:s2+s10], $0x80, s3, s10, $0xb8;
	[tilespmem:$0x1E400] =	vst v63  }
0x1c: {  	_ = 	snop  }
0x1d: {  	[tilespmem:s12], [sflag:$0x2] =	stream.indirect.gather [hbm4b:s2+s10], $0x80, s10, s10, $0xb8;
	[tilespmem:$0x1E400] =	vst v63  }
0x1e: {  	s13 =	simm.s32 $0x100;
	p0 =	por $0x1, $0x1  }
0x1f: {  	[tilespmem:s14], [sflag:$0x3] =	stream.indirect.gather [hbm4b:s2+s10], $0x80, s13, s10, $0xb8;
	[tilespmem:$0x1E400] =	vst v63  }
0x20: {  	s15 =	simm.s32 $0x180;
	s0 =	simm.s32 @!p0 $0xB  }
0x21: {  	[tilespmem:s16], [sflag:$0x4] =	stream.indirect.gather [hbm4b:s2+s10], $0x80, s15, s10, $0xb8;
	[tilespmem:$0x1E400] =	vst v63  }
0x22: {  	_ =	swait.ge @!p0 [sflag:s0], $0x4000  }
0x23: {  	[sflag:s0] =	ssyncset.done @!p0 $0x0  }
0x24: {  	s4 =	simm.s32 $0x200;
	[sflag:s0] =	ssyncadd.s32 @!p0 $0xFFFFC000  }
0x25: {  	[tilespmem:s17], [sflag:$0x5] =	stream.indirect.gather [hbm4b:s2+s10], $0x80, s4, s10, $0xb8;
	[tilespmem:$0x1E400] =	vst v63  }
0x26: {  	_ =	swait.ge [sflag:s18], $0x4000  }
0x27: {  	s28 =	rddreg [dreg:$0x5];
	[sflag:s18] =	ssyncset.done $0x0  }
0x28: {  	s4 =	simm.s32 @!p0 $0xC;
	[sflag:s18] =	ssyncadd.s32 $0xFFFFC000;
	s0 =	sadd.s32 $0x0, s28  }
0x29: {  	[hbm4b:s0+s3] =	stream.linear.scatter [tilespmem:s11], [sflag:$0x7], $0x4000, $0x38;
	[tilespmem:$0x1E400] =	vst v63  }
0x2a: {  	_ =	swait.ge @!p0 [sflag:s4], $0x4000  }
0x2b: {  	[sflag:s4] =	ssyncset.done @!p0 $0x0  }
0x2c: {  	s6 =	simm.s32 $0x280;
	[sflag:s4] =	ssyncadd.s32 @!p0 $0xFFFFC000  }
0x2d: {  	[tilespmem:s19], [sflag:$0x6] =	stream.indirect.gather [hbm4b:s2+s10], $0x80, s6, s10, $0xb8;
	[tilespmem:$0x1E400] =	vst v63  }
0x2e: {  	_ =	swait.ge [sflag:s20], $0x4000  }
0x2f: {  	s0 =	sadd.s32 $0x0, s5;
	[sflag:s20] =	ssyncset.done $0x0  }
0x30: {  	s7 =	sadd.s32 $0x800, s0;
	[sflag:s20] =	ssyncadd.s32 $0xFFFFC000  }
0x31: {  	[hbm4b:s7+s3] =	stream.linear.scatter [tilespmem:s12], [sflag:$0x8], $0x4000, $0x38;
	[tilespmem:$0x1E400] =	vst v63  }
0x32: {  	_ =	swait.ge [sflag:s21], $0x4000  }
0x33: {  	[sflag:s21] =	ssyncset.done $0x0  }
0x34: {  	s8 =	simm.s32 $0x300;
	[sflag:s21] =	ssyncadd.s32 $0xFFFFC000  }
0x35: {  	[tilespmem:s11], [sflag:$0x1] =	stream.indirect.gather [hbm4b:s2+s10], $0x80, s8, s10, $0xb8;
	[tilespmem:$0x1E400] =	vst v63  }
0x36: {  	_ =	swait.ge [sflag:s22], $0x4000  }
0x37: {  	s9 =	rddreg [dreg:$0x4];
	[sflag:s22] =	ssyncset.done $0x0  }
0x38: {  	[sflag:s22] =	ssyncadd.s32 $0xFFFFC000;
	s4 =	sadd.s32 $0x0, s9  }
0x39: {  	[hbm4b:s4+s3] =	stream.linear.scatter [tilespmem:s14], [sflag:$0x9], $0x4000, $0x38;
	[tilespmem:$0x1E400] =	vst v63  }
0x3a: {  	_ =	swait.ge [sflag:s23], $0x4000  }
0x3b: {  	[sflag:s23] =	ssyncset.done $0x0  }
0x3c: {  	s13 =	simm.s32 $0x380;
	[sflag:s23] =	ssyncadd.s32 $0xFFFFC000  }
0x3d: {  	[tilespmem:s12], [sflag:$0x2] =	stream.indirect.gather [hbm4b:s2+s10], $0x80, s13, s10, $0xb8;
	[tilespmem:$0x1E400] =	vst v63  }
0x3e: {  	_ =	swait.ge [sflag:s24], $0x4000  }
0x3f: {  	p0 =	por $0x0, $0x0;
	[sflag:s24] =	ssyncset.done $0x0  }
0x40: {  	s15 =	sadd.s32 $0x1800, s0;
	s6 =	simm.s32 @!p0 $0x9;
	[sflag:s24] =	ssyncadd.s32 $0xFFFFC000  }
0x41: {  	[hbm4b:s15+s3] =	stream.linear.scatter [tilespmem:s16], [sflag:$0xA], $0x4000, $0x38;
	[tilespmem:$0x1E400] =	vst v63  }
0x42: {  	_ =	swait.ge @!p0 [sflag:s6], $0x4000  }
0x43: {  	s4 =	simm.s32 @!p0 $0xE400;
	[sflag:s6] =	ssyncset.done @!p0 $0x0  }
0x44: {  	s13 =	simm.s32 @!p0 $0x400;
	[sflag:s6] =	ssyncadd.s32 @!p0 $0xFFFFC000;
	s6 =	simm.s32 @!p0 $0x80  }
0x45: {  	[tilespmem:s4], [sflag:$0x3] =	stream.indirect.gather @!p0 [hbm4b:s2+s6], $0x80, s13, s6, $0xb8;
	[tilespmem:$0x1E400] =	vst v63  }
0x46: {  	_ =	swait.ge [sflag:s25], $0x4000  }
0x47: {  	s28 =	rddreg [dreg:$0x6];
	[sflag:s25] =	ssyncset.done $0x0  }
0x48: {  	s13 =	simm.s32 @!p0 $0xA;
	[sflag:s25] =	ssyncadd.s32 $0xFFFFC000;
	s4 =	sadd.s32 $0x0, s28  }
0x49: {  	[hbm4b:s4+s3] =	stream.linear.scatter [tilespmem:s17], [sflag:$0xB], $0x4000, $0x38;
	[tilespmem:$0x1E400] =	vst v63  }
0x4a: {  	_ =	swait.ge @!p0 [sflag:s13], $0x4000  }
0x4b: {  	[sflag:s13] =	ssyncset.done @!p0 $0x0  }
0x4c: {  	s4 =	simm.s32 @!p0 $0x480;
	[sflag:s13] =	ssyncadd.s32 @!p0 $0xFFFFC000;
	s13 =	simm.s32 @!p0 $0x12400  }
0x4d: {  	[tilespmem:s13], [sflag:$0x4] =	stream.indirect.gather @!p0 [hbm4b:s2+s6], $0x80, s4, s6, $0xb8;
	[tilespmem:$0x1E400] =	vst v63  }
0x4e: {  	p1 =	por $0x0, $0x0;
	s15 =	simm.s32 $0x6000;
	s13 =	simm.s32 $0x3000  }
0x4f: {  	s6 =	sadd.s32 $0x2800, s0;
	s0 =	simm.s32 $0x580;
	_ =	swait.ge [sflag:s26], $0x4000  }
.LBB2_2:
0x50: {  	[sflag:s26] =	ssyncset.done $0x0  }
0x51: {  	s7 =	simm.s32 @!p1 $0xB;
	[sflag:s26] =	ssyncadd.s32 $0xFFFFC000  }
0x52: {  	[hbm4b:s6+s3] =	stream.linear.scatter [tilespmem:s19], [sflag:$0xC], $0x4000, $0x38;
	[tilespmem:$0x1E400] =	vst v63  }
0x53: {  	_ =	swait.ge @!p1 [sflag:s7], $0x4000  }
0x54: {  	[sflag:s7] =	ssyncset.done @!p1 $0x0  }
0x55: {  	s8 =	sadd.s32 $0xFFFFFF80, s0;
	[sflag:s7] =	ssyncadd.s32 @!p1 $0xFFFFC000  }
0x56: {  	[tilespmem:s17], [sflag:$0x5] =	stream.indirect.gather [hbm4b:s2+s10], $0x80, s8, s10, $0xb8;
	[tilespmem:$0x1E400] =	vst v63  }
0x57: {  	_ =	swait.ge [sflag:s18], $0x4000  }
0x58: {  	s9 =	rddreg [dreg:$0x5];
	[sflag:s18] =	ssyncset.done $0x0  }
0x59: {  	s7 =	simm.s32 @!p1 $0xC;
	[sflag:s18] =	ssyncadd.s32 $0xFFFFC000;
	s6 =	sadd.s32 s13, s9  }
0x5a: {  	[hbm4b:s6+s3] =	stream.linear.scatter [tilespmem:s11], [sflag:$0x7], $0x4000, $0x38;
	[tilespmem:$0x1E400] =	vst v63  }
0x5b: {  	_ =	swait.ge @!p1 [sflag:s7], $0x4000  }
0x5c: {  	[sflag:s7] =	ssyncset.done @!p1 $0x0  }
0x5d: {  	[sflag:s7] =	ssyncadd.s32 @!p1 $0xFFFFC000  }
0x5e: {  	[tilespmem:s19], [sflag:$0x6] =	stream.indirect.gather [hbm4b:s2+s10], $0x80, s0, s10, $0xb8;
	[tilespmem:$0x1E400] =	vst v63  }
0x5f: {  	_ =	swait.ge [sflag:s20], $0x4000  }
0x60: {  	s7 =	sadd.s32 s13, s5;
	[sflag:s20] =	ssyncset.done $0x0  }
0x61: {  	s8 =	sadd.s32 $0x800, s7;
	[sflag:s20] =	ssyncadd.s32 $0xFFFFC000  }
0x62: {  	[hbm4b:s8+s3] =	stream.linear.scatter [tilespmem:s12], [sflag:$0x8], $0x4000, $0x38;
	[tilespmem:$0x1E400] =	vst v63  }
0x63: {  	_ =	swait.ge [sflag:s21], $0x4000  }
0x64: {  	[sflag:s21] =	ssyncset.done $0x0  }
0x65: {  	s28 =	sadd.s32 $0x80, s0;
	[sflag:s21] =	ssyncadd.s32 $0xFFFFC000  }
0x66: {  	[tilespmem:s11], [sflag:$0x1] =	stream.indirect.gather [hbm4b:s2+s10], $0x80, s28, s10, $0xb8;
	[tilespmem:$0x1E400] =	vst v63  }
0x67: {  	_ =	swait.ge [sflag:s22], $0x4000  }
0x68: {  	s9 =	rddreg [dreg:$0x4];
	[sflag:s22] =	ssyncset.done $0x0  }
0x69: {  	[sflag:s22] =	ssyncadd.s32 $0xFFFFC000;
	s8 =	sadd.s32 s13, s9  }
0x6a: {  	[hbm4b:s8+s3] =	stream.linear.scatter [tilespmem:s14], [sflag:$0x9], $0x4000, $0x38;
	[tilespmem:$0x1E400] =	vst v63  }
0x6b: {  	_ =	swait.ge [sflag:s23], $0x4000  }
0x6c: {  	[sflag:s23] =	ssyncset.done $0x0  }
0x6d: {  	s28 =	sadd.s32 $0x100, s0;
	[sflag:s23] =	ssyncadd.s32 $0xFFFFC000  }
0x6e: {  	[tilespmem:s12], [sflag:$0x2] =	stream.indirect.gather [hbm4b:s2+s10], $0x80, s28, s10, $0xb8;
	[tilespmem:$0x1E400] =	vst v63  }
0x6f: {  	_ =	swait.ge [sflag:s24], $0x4000  }
0x70: {  	p1 =	seq.s32 s13, $0x60000;
	s6 =	sadd.s32 $0x2800, s7;
	[sflag:s24] =	ssyncset.done $0x0  }
0x71: {  	s7 =	sadd.s32 $0x1800, s7;
	s8 =	simm.s32 @!p1 $0x9;
	[sflag:s24] =	ssyncadd.s32 $0xFFFFC000  }
0x72: {  	[hbm4b:s7+s3] =	stream.linear.scatter [tilespmem:s16], [sflag:$0xA], $0x4000, $0x38;
	[tilespmem:$0x1E400] =	vst v63  }
0x73: {  	_ =	swait.ge @!p1 [sflag:s8], $0x4000  }
0x74: {  	s9 =	sadd.s32 @!p1 $0x180, s0;
	[sflag:s8] =	ssyncset.done @!p1 $0x0  }
0x75: {  	s28 =	simm.s32 @!p1 $0x80;
	s7 =	simm.s32 @!p1 $0xE400;
	[sflag:s8] =	ssyncadd.s32 @!p1 $0xFFFFC000  }
0x76: {  	[tilespmem:s7], [sflag:$0x3] =	stream.indirect.gather @!p1 [hbm4b:s2+s28], $0x80, s9, s28, $0xb8;
	[tilespmem:$0x1E400] =	vst v63  }
0x77: {  	s4 =	smov.u32 s15;
	s15 =	sadd.s32 $0x3000, s15;
	_ =	swait.ge [sflag:s25], $0x4000  }
0x78: {  	p0 =	sne.s32 s15, $0x63000;
	s9 =	rddreg [dreg:$0x6];
	[sflag:s25] =	ssyncset.done $0x0  }
0x79: {  	s8 =	simm.s32 @!p1 $0xA;
	[sflag:s25] =	ssyncadd.s32 $0xFFFFC000;
	s7 =	sadd.s32 s13, s9  }
0x7a: {  	[hbm4b:s7+s3] =	stream.linear.scatter [tilespmem:s17], [sflag:$0xB], $0x4000, $0x38;
	[tilespmem:$0x1E400] =	vst v63  }
.Ltmp0:
0x7b: {  	_ =	swait.ge @!p1 [sflag:s8], $0x4000;
	(pc) =	sbr.rel @p0 .LBB2_2-.Ltmp0, $4  }
0x7c: {  	s13 =	smov.u32 s4;
	[sflag:s8] =	ssyncset.done @!p1 $0x0  }
0x7d: {  	s4 =	sadd.s32 @!p1 $0x200, s0;
	s7 =	simm.s32 @!p1 $0x12400;
	[sflag:s8] =	ssyncadd.s32 @!p1 $0xFFFFC000  }
0x7e: {  	[tilespmem:s7], [sflag:$0x4] =	stream.indirect.gather @!p1 [hbm4b:s2+s28], $0x80, s4, s28, $0xb8;
	[tilespmem:$0x1E400] =	vst v63  }
0x7f: {  	s0 =	sadd.s32 $0x300, s0;
	p1 =	seq.s32 s13, $0x0;
	_ =	swait.ge [sflag:s26], $0x4000  }
0x80: {  	[sflag:s26] =	ssyncset.done $0x0  }
0x81: {  	s4 =	simm.s32 @!p1 $0xB;
	[sflag:s26] =	ssyncadd.s32 $0xFFFFC000  }
0x82: {  	[hbm4b:s6+s3] =	stream.linear.scatter [tilespmem:s19], [sflag:$0xC], $0x4000, $0x38;
	[tilespmem:$0x1E400] =	vst v63  }
0x83: {  	_ =	swait.ge @!p1 [sflag:s4], $0x4000  }
0x84: {  	[sflag:s4] =	ssyncset.done @!p1 $0x0  }
0x85: {  	s9 =	sadd.s32 $0xFFFFFF80, s0;
	[sflag:s4] =	ssyncadd.s32 @!p1 $0xFFFFC000  }
0x86: {  	[tilespmem:s17], [sflag:$0x5] =	stream.indirect.gather [hbm4b:s2+s10], $0x80, s9, s10, $0xb8;
	[tilespmem:$0x1E400] =	vst v63  }
0x87: {  	_ =	swait.ge [sflag:s18], $0x4000  }
0x88: {  	s15 =	rddreg [dreg:$0x5];
	[sflag:s18] =	ssyncset.done $0x0  }
0x89: {  	s6 =	simm.s32 @!p1 $0xC;
	[sflag:s18] =	ssyncadd.s32 $0xFFFFC000;
	s4 =	sadd.s32 s13, s15  }
0x8a: {  	[hbm4b:s4+s3] =	stream.linear.scatter [tilespmem:s11], [sflag:$0x7], $0x4000, $0x38;
	[tilespmem:$0x1E400] =	vst v63  }
0x8b: {  	_ =	swait.ge @!p1 [sflag:s6], $0x4000  }
0x8c: {  	[sflag:s6] =	ssyncset.done @!p1 $0x0  }
0x8d: {  	[sflag:s6] =	ssyncadd.s32 @!p1 $0xFFFFC000  }
0x8e: {  	[tilespmem:s19], [sflag:$0x6] =	stream.indirect.gather [hbm4b:s2+s10], $0x80, s0, s10, $0xb8;
	[tilespmem:$0x1E400] =	vst v63  }
0x8f: {  	_ =	swait.ge [sflag:s20], $0x4000  }
0x90: {  	s4 =	sadd.s32 s13, s5;
	[sflag:s20] =	ssyncset.done $0x0  }
0x91: {  	s28 =	sadd.s32 $0x800, s4;
	[sflag:s20] =	ssyncadd.s32 $0xFFFFC000  }
0x92: {  	[hbm4b:s28+s3] =	stream.linear.scatter [tilespmem:s12], [sflag:$0x8], $0x4000, $0x38;
	[tilespmem:$0x1E400] =	vst v63  }
0x93: {  	_ =	swait.ge [sflag:s21], $0x4000  }
0x94: {  	[sflag:s21] =	ssyncset.done $0x0  }
0x95: {  	s7 =	sadd.s32 $0x80, s0;
	[sflag:s21] =	ssyncadd.s32 $0xFFFFC000  }
0x96: {  	[tilespmem:s11], [sflag:$0x1] =	stream.indirect.gather [hbm4b:s2+s10], $0x80, s7, s10, $0xb8;
	[tilespmem:$0x1E400] =	vst v63  }
0x97: {  	_ =	swait.ge [sflag:s22], $0x4000  }
0x98: {  	s8 =	rddreg [dreg:$0x4];
	[sflag:s22] =	ssyncset.done $0x0  }
0x99: {  	[sflag:s22] =	ssyncadd.s32 $0xFFFFC000;
	s6 =	sadd.s32 s13, s8  }
0x9a: {  	[hbm4b:s6+s3] =	stream.linear.scatter [tilespmem:s14], [sflag:$0x9], $0x4000, $0x38;
	[tilespmem:$0x1E400] =	vst v63  }
0x9b: {  	_ =	swait.ge [sflag:s23], $0x4000  }
0x9c: {  	[sflag:s23] =	ssyncset.done $0x0  }
0x9d: {  	s9 =	sadd.s32 $0x100, s0;
	[sflag:s23] =	ssyncadd.s32 $0xFFFFC000  }
0x9e: {  	[tilespmem:s12], [sflag:$0x2] =	stream.indirect.gather [hbm4b:s2+s10], $0x80, s9, s10, $0xb8;
	[tilespmem:$0x1E400] =	vst v63  }
0x9f: {  	_ =	swait.ge [sflag:s24], $0x4000  }
0xa0: {  	p0 =	seq.s32 s13, $0x60000;
	[sflag:s24] =	ssyncset.done $0x0  }
0xa1: {  	s15 =	sadd.s32 $0x1800, s4;
	s7 =	simm.s32 @!p0 $0x9;
	[sflag:s24] =	ssyncadd.s32 $0xFFFFC000  }
0xa2: {  	[hbm4b:s15+s3] =	stream.linear.scatter [tilespmem:s16], [sflag:$0xA], $0x4000, $0x38;
	[tilespmem:$0x1E400] =	vst v63  }
0xa3: {  	_ =	swait.ge @!p0 [sflag:s7], $0x4000  }
0xa4: {  	s8 =	sadd.s32 @!p0 $0x180, s0;
	[sflag:s7] =	ssyncset.done @!p0 $0x0  }
0xa5: {  	s6 =	simm.s32 @!p0 $0xE400;
	[sflag:s7] =	ssyncadd.s32 @!p0 $0xFFFFC000;
	s7 =	simm.s32 @!p0 $0x80  }
0xa6: {  	[tilespmem:s6], [sflag:$0x3] =	stream.indirect.gather @!p0 [hbm4b:s2+s7], $0x80, s8, s7, $0xb8;
	[tilespmem:$0x1E400] =	vst v63  }
0xa7: {  	_ =	swait.ge [sflag:s25], $0x4000  }
0xa8: {  	s28 =	rddreg [dreg:$0x6];
	[sflag:s25] =	ssyncset.done $0x0  }
0xa9: {  	s6 =	sadd.s32 s13, s28;
	[sflag:s25] =	ssyncadd.s32 $0xFFFFC000  }
0xaa: {  	[hbm4b:s6+s3] =	stream.linear.scatter [tilespmem:s17], [sflag:$0xB], $0x4000, $0x38;
	[tilespmem:$0x1E400] =	vst v63  }
0xab: {  	s6 =	simm.s32 @!p0 $0xA  }
0xac: {  	_ =	swait.ge @!p0 [sflag:s6], $0x4000  }
0xad: {  	[sflag:s6] =	ssyncset.done @!p0 $0x0  }
0xae: {  	s0 =	sadd.s32 @!p0 $0x200, s0;
	[sflag:s6] =	ssyncadd.s32 @!p0 $0xFFFFC000;
	s6 =	simm.s32 @!p0 $0x12400  }
0xaf: {  	[tilespmem:s6], [sflag:$0x4] =	stream.indirect.gather @!p0 [hbm4b:s2+s7], $0x80, s0, s7, $0xb8;
	[tilespmem:$0x1E400] =	vst v63  }
0xb0: {  	_ =	swait.ge [sflag:s26], $0x4000  }
0xb1: {  	[sflag:s26] =	ssyncset.done $0x0  }
0xb2: {  	s8 =	sadd.s32 $0x2800, s4;
	[sflag:s26] =	ssyncadd.s32 $0xFFFFC000  }
0xb3: {  	[hbm4b:s8+s3] =	stream.linear.scatter [tilespmem:s19], [sflag:$0xC], $0x4000, $0x38;
	[tilespmem:$0x1E400] =	vst v63  }
0xb4: {  	_ =	swait.ge [sflag:s18], $0x4000  }
0xb5: {  	[sflag:s18] =	ssyncset.done $0x0  }
0xb6: {  	s9 =	rddreg [dreg:$0x8];
	[sflag:s18] =	ssyncadd.s32 $0xFFFFC000  }
0xb7: {  	[hbm4b:s9+s3] =	stream.linear.scatter [tilespmem:s11], [sflag:$0x7], $0x4000, $0x38;
	[tilespmem:$0x1E400] =	vst v63  }
0xb8: {  	_ =	swait.ge [sflag:s20], $0x4000  }
0xb9: {  	[sflag:s20] =	ssyncset.done $0x0  }
0xba: {  	s13 =	rddreg [dreg:$0x9];
	[sflag:s20] =	ssyncadd.s32 $0xFFFFC000  }
0xbb: {  	[hbm4b:s13+s3] =	stream.linear.scatter [tilespmem:s12], [sflag:$0x8], $0x4000, $0x38;
	[tilespmem:$0x1E400] =	vst v63  }
0xbc: {  	_ =	swait.ge [sflag:s21], $0x4000  }
0xbd: {  	[sflag:s21] =	ssyncset.done $0x0  }
0xbe: {  	[sflag:s21] =	ssyncadd.s32 $0xFFFFC000  }
0xbf: {  	_ =	swait.ge [sflag:s23], $0x4000  }
0xc0: {  	[sflag:s23] =	ssyncset.done $0x0  }
0xc1: {  	s15 =	simm.s32 $0x9;
	[sflag:s23] =	ssyncadd.s32 $0xFFFFC000  }
0xc2: {  	_ =	swait.ge [sflag:s15], $0x4000  }
0xc3: {  	[sflag:s15] =	ssyncset.done $0x0  }
0xc4: {  	[sflag:s15] =	ssyncadd.s32 $0xFFFFC000  }
0xc5: {  	_ =	swait.ge [sflag:s29], $0x4000  }
0xc6: {  	[sflag:s29] =	ssyncset.done $0x0  }
0xc7: {  	[sflag:s29] =	ssyncadd.s32 $0xFFFFC000  }
0xc8: {  	_ =	swait.ge [sflag:s30], $0x4000  }
0xc9: {  	[sflag:s30] =	ssyncset.done $0x0  }
0xca: {  	[sflag:s30] =	ssyncadd.s32 $0xFFFFC000  }
0xcb: {  	_ =	swait.ge [sflag:s31], $0x4000  }
0xcc: {  	s1 =	sadd.s32 $0x1, s1;
	s28 =	rddreg [dreg:$0xa]  }
0xcd: {  	p0 =	sne.s32 s1, s28  }
.Ltmp1:
0xce: {  	_ = 	snop;
	(pc) =	sbr.rel @p0 .LBB2_1-.Ltmp1, $3  }
0xcf: {  	_ =	sdelay $0x1  }
0xd0: {  	[sflag:s31] =	ssyncset.done $0x0  }
0xd1: {  	[sflag:s31] =	ssyncadd.s32 $0xFFFFC000  }
0xd2: {  	_ =	sfence.sel $0x180000  }
0xd3: {  	[bflag:$0x0] =	sbarrier.arrive $0xFFFF  }
0xd4: {  	_ =	strace $0x90000047  }
0xd5: {  	s0 =	stileid.u32;
	[bflag:$0x2] =	sbarrier.arrive $0xFFFF  }
0xd6: {  	p0 =	sne.s32 s0, $0x0;
	s0 =	rddreg [dreg:$0x3]  }
0xd7: {  	s0 =	sadd.s32 @!p0 $0x100000, s0  }
0xd8: {  	[sflag:s0] =	ssyncadd.tile.s32 @!p0 $0x1;
	_ =	shalt  }
.Lfunc_end2:
_tile_overlayer_lowered:
.L_overlay_start_2:
0xd9: {  	(tag) =	ssettag $0x2  }
0xda: {  	s0 =	rddreg [dreg:$0x0];
	s2 =	stileid.u32  }
0xdb: {  	s1 =	rddreg [dreg:$0x1];
	p0 =	sne.s32 s2, $0x0  }
0xdc: {  	s3 =	rddreg [dreg:$0x2];
	[bflag:$0x3] =	sbarrier.arrive $0xFFFF;
	s2 =	simm.s32 @!p0 $0x1C0D  }
0xdd: {  	[timem:s3], [sflag:s2] =	dma.local @!p0 [hbm:s0], s1  }
0xde: {  	s0 =	simm.s32 @!p0 $0xD  }
0xdf: {  	_ =	swait.ge @!p0 [sflag:s0], s1  }
0xe0: {  	s1 =	ssub.s32 @!p0 $0x0, s1;
	[sflag:s0] =	ssyncset.done @!p0 $0x0  }
0xe1: {  	[sflag:s0] =	ssyncadd.s32 @!p0 s1  }
0xe2: {  	[bflag:$0x3] =	sbarrier.arrive $0xFFFF  }
0xe3: {  	_ =	shalt  }

</sc_bundles>
